<compile_context>
chip_gen: v7x
topology: tpu7x:2x2x1
jax: 0.10.2.dev20260603
libtpu: 0.0.44.dev20260713+nightly
codegen_flags: <defaults>
</compile_context>

<pallas_src>
import functools
import math

import jax
import jax.numpy as jnp
from jax import lax
from jax.experimental import pallas as pl
from jax.experimental.pallas import tpu as pltpu
from jax.experimental.pallas import tpu_sc as plsc

_SCALE = math.sqrt(64.0)

_NC = 2
_NS = 16
_NW = _NC * _NS
_CHUNK = 128

_T_BLK = 8192
_T_HALF_BITS = 12


def _prescale_body(x1_ref, x2_ref, o_ref):
    o_ref[...] = jnp.concatenate(
        [x1_ref[...].T, x2_ref[...].T], axis=1) * _SCALE


@functools.lru_cache(maxsize=None)
def _make_prescale_transpose(v, d):
    grid = (v + _T_BLK - 1) // _T_BLK
    half = _T_BLK // 2
    maxb = (v - 1) // half
    return pl.pallas_call(
        _prescale_body,
        grid=(grid,),
        in_specs=[
            pl.BlockSpec((d, half), lambda k, m=maxb: (0, jnp.minimum(2 * k, m))),
            pl.BlockSpec(
                (d, half), lambda k, m=maxb: (0, jnp.minimum(2 * k + 1, m))),
        ],
        out_specs=pl.BlockSpec((half, 2 * d), lambda k: (k, 0)),
        out_shape=jax.ShapeDtypeStruct((grid * half, 2 * d), jnp.float32),
    )


def _view_row(r):
    a = jnp.bitwise_and(r, ~(_T_BLK - 1))
    h = jnp.bitwise_and(jnp.right_shift(r, _T_HALF_BITS), 1)
    p = jnp.bitwise_and(r, _T_BLK // 2 - 1)
    return a + 2 * p + h


def _out_body(x_ref, o_ref):
    o_ref[...] = x_ref[...].T


def _out_body_acc(_, x_ref, o_ref):
    o_ref[...] = x_ref[...].T


@functools.lru_cache(maxsize=None)
def _make_out_transpose(batch, hd, col0, total):
    c0 = col0 // 128
    if col0 == 0:
        return pl.pallas_call(
            _out_body,
            grid=(batch // 128,),
            in_specs=[pl.BlockSpec((128, hd), lambda j: (j, 0))],
            out_specs=pl.BlockSpec((hd, 128), lambda j, c=c0: (0, c + j)),
            out_shape=jax.ShapeDtypeStruct((hd, total), jnp.float32),
        )
    return pl.pallas_call(
        _out_body_acc,
        grid=(batch // 128,),
        in_specs=[
            pl.BlockSpec(memory_space=pl.ANY),
            pl.BlockSpec((128, hd), lambda j: (j, 0)),
        ],
        out_specs=pl.BlockSpec((hd, 128), lambda j, c=c0: (0, c + j)),
        out_shape=jax.ShapeDtypeStruct((hd, total), jnp.float32),
        input_output_aliases={0: 0},
    )


@functools.lru_cache(maxsize=None)
def _make_gather(b, v, d):
    assert b % (_NW * _CHUNK) == 0
    chunks_per_w = b // _CHUNK // _NW
    assert chunks_per_w % 2 == 0
    mesh = plsc.VectorSubcoreMesh(core_axis_name="c", subcore_axis_name="s")

    @functools.partial(
        pl.kernel,
        mesh=mesh,
        out_type=jax.ShapeDtypeStruct((b // _CHUNK, _CHUNK, d), jnp.float32),
        scratch_types=[
            pltpu.VMEM((chunks_per_w, _CHUNK), jnp.int32),
            pltpu.VMEM((_CHUNK, d), jnp.float32),
            pltpu.VMEM((_CHUNK, d), jnp.float32),
            pltpu.SemaphoreType.DMA,
            pltpu.SemaphoreType.DMA,
        ],
        compiler_params=pltpu.CompilerParams(use_tc_tiling_on_sc=False),
    )
    def lookup(table_hbm, idx_hbm, out_hbm, idx_v, buf_a, buf_b, sem_a, sem_b):
        wid = lax.axis_index("s") * _NC + lax.axis_index("c")
        row0 = wid * chunks_per_w
        pltpu.sync_copy(idx_hbm.at[pl.ds(row0, chunks_per_w)], idx_v)

        pltpu.async_copy(table_hbm.at[idx_v.at[0]], buf_a, sem_a)
        pltpu.async_copy(table_hbm.at[idx_v.at[1]], buf_b, sem_b)

        def group(g, carry):
            j = 2 * g
            pltpu.make_async_copy(table_hbm.at[idx_v.at[j]], buf_a, sem_a).wait()
            pltpu.sync_copy(buf_a, out_hbm.at[row0 + j])

            @pl.when(j + 2 < chunks_per_w)
            def _():
                pltpu.async_copy(table_hbm.at[idx_v.at[j + 2]], buf_a, sem_a)

            pltpu.make_async_copy(table_hbm.at[idx_v.at[j + 1]], buf_b, sem_b).wait()
            pltpu.sync_copy(buf_b, out_hbm.at[row0 + j + 1])

            @pl.when(j + 3 < chunks_per_w)
            def _():
                pltpu.async_copy(table_hbm.at[idx_v.at[j + 3]], buf_b, sem_b)

            return carry

        lax.fori_loop(0, chunks_per_w // 2, group, 0)

    return lookup


def kernel(input_ids, embeddings):
    batch, hist = input_ids.shape
    v, d = embeddings.shape
    b = batch * hist

    emb_t = embeddings.T
    tbl2 = _make_prescale_transpose(v, d)(emb_t, emb_t)
    v_view = 2 * tbl2.shape[0]
    tbl = tbl2.reshape(v_view, d)
    idx2d = _view_row(input_ids.astype(jnp.int32)).reshape(b // _CHUNK, _CHUNK)

    rounds = 4
    hd = hist * d
    qb = batch // rounds
    qrows = idx2d.shape[0] // rounds
    gather = _make_gather(b // rounds, v_view, d)
    parts = [
        gather(tbl, idx2d[i * qrows:(i + 1) * qrows]).reshape(qb, hd)
        for i in range(rounds)
    ]
    out_t = _make_out_transpose(qb, hd, 0, batch)(parts[0])
    for i in range(1, rounds):
        out_t = _make_out_transpose(qb, hd, i * qb, batch)(out_t, parts[i])
    return out_t.reshape(hist, d, batch).transpose(2, 0, 1)

# --- scband reference (transcript-rebuilt; emitter-appended) ---
"""Pipeline reference for scband-token-embeddings-85942295592962 (READ-ONLY COPY).

The authoritative reference and input builder live on the scoring server;
editing this copy changes nothing except your own understanding.
"""

import jax, jax.numpy as jnp
import numpy as np
import math

VOCAB_SIZE = 1000000
MODEL_DIM = 64
BATCH = 16384
HIST_LEN = 50
MODEL_DIM_SQRT = math.sqrt(MODEL_DIM)


def setup_inputs(seed: int = 0) -> dict:
    key = jax.random.key(seed)
    k_idx, k_emb = jax.random.split(key)
    input_ids = jax.random.randint(k_idx, (BATCH, HIST_LEN), 0, VOCAB_SIZE, dtype=jnp.int64 if jax.config.read('jax_enable_x64') else jnp.int32)
    embeddings = jax.random.normal(k_emb, (VOCAB_SIZE, MODEL_DIM), dtype=jnp.float32)
    return {"input_ids": input_ids, "embeddings": embeddings}


def reference(input_ids, embeddings):
    # nn.Embedding lookup: gather rows of the table by index
    emb = jnp.take(embeddings, input_ids, axis=0)
    # multiply_dim_sqrt=True: scale by sqrt(model_dim)
    return emb * MODEL_DIM_SQRT

if __name__ == "__main__":
    import jax
    _d = setup_inputs()
    print(jax.jit(kernel)(*tuple(_d.values())))

</pallas_src>

<mosaic_0001>
#map = affine_map<(d0, d1) -> (0, 0)>
#map1 = affine_map<(d0, d1) -> (0, 0, 0)>
module attributes {stable_mosaic.version = 14 : i64} {
  func.func @lookup(%arg0: i32, %arg1: i32, %arg2: memref<1007616x64xf32, #tpu.memory_space<hbm>>, %arg3: memref<1600x128xi32, #tpu.memory_space<hbm>>, %arg4: memref<1600x128x64xf32, #tpu.memory_space<hbm>>, %arg5: memref<50x128xi32, #tpu.memory_space<vmem>>, %arg6: memref<128x64xf32, #tpu.memory_space<vmem>>, %arg7: memref<128x64xf32, #tpu.memory_space<vmem>>, %arg8: memref<!tpu.dma_semaphore, #tpu.memory_space<semaphore_mem>>, %arg9: memref<!tpu.dma_semaphore, #tpu.memory_space<semaphore_mem>>) attributes {dimension_semantics = [#tpu.dimension_semantics<core_parallel>, #tpu.dimension_semantics<subcore_parallel>], iteration_bounds = array<i64: 2, 16>, scalar_prefetch = 0 : i64, scratch_operands = 5 : i64, tpu.core_type = #tpu.core_type<sc_vector_subcore>, window_params = [{transform_indices = #map}, {transform_indices = #map}, {transform_indices = #map1}]} {
    %mul3A = arith.constant 2 : i32
    %mul3A_0 = arith.muli %arg1, %mul3A : i32
    %add3A = arith.addi %mul3A_0, %arg0 : i32
    %mul3A_1 = arith.constant 50 : i32
    %mul3A_2 = arith.muli %add3A, %mul3A_1 : i32
    "tpu.region"() ({
      %run_scoped3A = tpu.sem_alloc : memref<!tpu.dma_semaphore, #tpu.memory_space<semaphore_mem>>
      %dma_start3A_21 = arith.constant 0 : i32
      %dma_start3A_22 = tpu.memref_slice %arg3[%mul3A_2, %dma_start3A_21] : memref<1600x128xi32, #tpu.memory_space<hbm>> -> memref<50x128xi32, #tpu.memory_space<hbm>>
      %dma_start3A_23 = arith.constant 0 : i32
      %dma_start3A_24 = tpu.memref_slice %arg3[%mul3A_2, %dma_start3A_23] : memref<1600x128xi32, #tpu.memory_space<hbm>> -> memref<50x128xi32, #tpu.memory_space<hbm>>
      tpu.enqueue_dma source(%dma_start3A_24 : memref<50x128xi32, #tpu.memory_space<hbm>>) target(%arg5 : memref<50x128xi32, #tpu.memory_space<vmem>>) target_semaphore(%run_scoped3A : memref<!tpu.dma_semaphore, #tpu.memory_space<semaphore_mem>>)
      %dma_wait3A = arith.constant 0 : i32
      %dma_wait3A_25 = tpu.memref_slice %arg3[%mul3A_2, %dma_wait3A] : memref<1600x128xi32, #tpu.memory_space<hbm>> -> memref<50x128xi32, #tpu.memory_space<hbm>>
      %dma_wait3A_26 = arith.constant 0 : i32
      %dma_wait3A_27 = tpu.memref_slice %arg3[%mul3A_2, %dma_wait3A_26] : memref<1600x128xi32, #tpu.memory_space<hbm>> -> memref<50x128xi32, #tpu.memory_space<hbm>>
      tpu.wait_dma2 semaphore(%run_scoped3A : memref<!tpu.dma_semaphore, #tpu.memory_space<semaphore_mem>>) src(%dma_wait3A_27 : memref<50x128xi32, #tpu.memory_space<hbm>>) dst(%arg5 : memref<50x128xi32, #tpu.memory_space<vmem>>)
      tpu.yield
    }) : () -> ()
    %dma_start3A = arith.constant 0 : i32
    %dma_start3A_3 = arith.constant 0 : i32
    %dma_start3A_4 = tpu.memref_slice %arg5[%dma_start3A, %dma_start3A_3] : memref<50x128xi32, #tpu.memory_space<vmem>> -> memref<1x128xi32, #tpu.memory_space<vmem>>
    %dma_start3A_5 = tpu.memref_squeeze %dma_start3A_4 : memref<1x128xi32, #tpu.memory_space<vmem>> -> memref<128xi32, #tpu.memory_space<vmem>>
    %dma_start3A_6 = arith.constant 0 : i32
    %dma_start3A_7 = arith.constant 0 : i32
    %dma_start3A_8 = tpu.memref_slice %arg2[%dma_start3A_6, %dma_start3A_7] : memref<1007616x64xf32, #tpu.memory_space<hbm>> -> memref<1007616x64xf32, #tpu.memory_space<hbm>>
    tpu.enqueue_indirect_dma source(%dma_start3A_8 : memref<1007616x64xf32, #tpu.memory_space<hbm>>) target(%arg6 : memref<128x64xf32, #tpu.memory_space<vmem>>) offsets(%dma_start3A_5 : memref<128xi32, #tpu.memory_space<vmem>>) semaphore(%arg8 : memref<!tpu.dma_semaphore, #tpu.memory_space<semaphore_mem>>)
    %dma_start3A_9 = arith.constant 1 : i32
    %dma_start3A_10 = arith.constant 0 : i32
    %dma_start3A_11 = tpu.memref_slice %arg5[%dma_start3A_9, %dma_start3A_10] : memref<50x128xi32, #tpu.memory_space<vmem>> -> memref<1x128xi32, #tpu.memory_space<vmem>>
    %dma_start3A_12 = tpu.memref_squeeze %dma_start3A_11 : memref<1x128xi32, #tpu.memory_space<vmem>> -> memref<128xi32, #tpu.memory_space<vmem>>
    %dma_start3A_13 = arith.constant 0 : i32
    %dma_start3A_14 = arith.constant 0 : i32
    %dma_start3A_15 = tpu.memref_slice %arg2[%dma_start3A_13, %dma_start3A_14] : memref<1007616x64xf32, #tpu.memory_space<hbm>> -> memref<1007616x64xf32, #tpu.memory_space<hbm>>
    tpu.enqueue_indirect_dma source(%dma_start3A_15 : memref<1007616x64xf32, #tpu.memory_space<hbm>>) target(%arg7 : memref<128x64xf32, #tpu.memory_space<vmem>>) offsets(%dma_start3A_12 : memref<128xi32, #tpu.memory_space<vmem>>) semaphore(%arg9 : memref<!tpu.dma_semaphore, #tpu.memory_space<semaphore_mem>>)
    %scan3A = arith.constant 0 : i32
    %scan3A_16 = arith.constant 0 : i32
    %scan3A_17 = arith.constant 25 : i32
    %scan3A_18 = arith.addi %scan3A_16, %scan3A_17 : i32
    %scan3A_19 = arith.constant 1 : i32
    scf.for %scan3A_21 = %scan3A_16 to %scan3A_18 step %scan3A_19  : i32 {
      %mul3A_22 = arith.constant 2 : i32
      %mul3A_23 = arith.muli %mul3A_22, %scan3A_21 : i32
      %dma_wait3A = arith.constant 0 : i32
      %dma_wait3A_24 = tpu.memref_slice %arg5[%mul3A_23, %dma_wait3A] : memref<50x128xi32, #tpu.memory_space<vmem>> -> memref<1x128xi32, #tpu.memory_space<vmem>>
      %dma_wait3A_25 = tpu.memref_squeeze %dma_wait3A_24 : memref<1x128xi32, #tpu.memory_space<vmem>> -> memref<128xi32, #tpu.memory_space<vmem>>
      %dma_wait3A_26 = arith.constant 0 : i32
      %dma_wait3A_27 = arith.constant 0 : i32
      %dma_wait3A_28 = tpu.memref_slice %arg2[%dma_wait3A_26, %dma_wait3A_27] : memref<1007616x64xf32, #tpu.memory_space<hbm>> -> memref<1007616x64xf32, #tpu.memory_space<hbm>>
      tpu.wait_indirect_dma semaphore(%arg8 : memref<!tpu.dma_semaphore, #tpu.memory_space<semaphore_mem>>) src(%dma_wait3A_28 : memref<1007616x64xf32, #tpu.memory_space<hbm>>) dst(%arg6 : memref<128x64xf32, #tpu.memory_space<vmem>>)
      %add3A_29 = arith.addi %mul3A_2, %mul3A_23 : i32
      "tpu.region"() ({
        %run_scoped3A = tpu.sem_alloc : memref<!tpu.dma_semaphore, #tpu.memory_space<semaphore_mem>>
        %dma_start3A_52 = arith.constant 0 : i32
        %dma_start3A_53 = arith.constant 0 : i32
        %dma_start3A_54 = tpu.memref_slice %arg4[%add3A_29, %dma_start3A_52, %dma_start3A_53] : memref<1600x128x64xf32, #tpu.memory_space<hbm>> -> memref<1x128x64xf32, #tpu.memory_space<hbm>>
        %dma_start3A_55 = tpu.memref_squeeze %dma_start3A_54 : memref<1x128x64xf32, #tpu.memory_space<hbm>> -> memref<128x64xf32, #tpu.memory_space<hbm>>
        %dma_start3A_56 = arith.constant 0 : i32
        %dma_start3A_57 = arith.constant 0 : i32
        %dma_start3A_58 = tpu.memref_slice %arg4[%add3A_29, %dma_start3A_56, %dma_start3A_57] : memref<1600x128x64xf32, #tpu.memory_space<hbm>> -> memref<1x128x64xf32, #tpu.memory_space<hbm>>
        %dma_start3A_59 = tpu.memref_squeeze %dma_start3A_58 : memref<1x128x64xf32, #tpu.memory_space<hbm>> -> memref<128x64xf32, #tpu.memory_space<hbm>>
        tpu.enqueue_dma source(%arg6 : memref<128x64xf32, #tpu.memory_space<vmem>>) target(%dma_start3A_59 : memref<128x64xf32, #tpu.memory_space<hbm>>) target_semaphore(%run_scoped3A : memref<!tpu.dma_semaphore, #tpu.memory_space<semaphore_mem>>)
        %dma_wait3A_60 = arith.constant 0 : i32
        %dma_wait3A_61 = arith.constant 0 : i32
        %dma_wait3A_62 = tpu.memref_slice %arg4[%add3A_29, %dma_wait3A_60, %dma_wait3A_61] : memref<1600x128x64xf32, #tpu.memory_space<hbm>> -> memref<1x128x64xf32, #tpu.memory_space<hbm>>
        %dma_wait3A_63 = tpu.memref_squeeze %dma_wait3A_62 : memref<1x128x64xf32, #tpu.memory_space<hbm>> -> memref<128x64xf32, #tpu.memory_space<hbm>>
        %dma_wait3A_64 = arith.constant 0 : i32
        %dma_wait3A_65 = arith.constant 0 : i32
        %dma_wait3A_66 = tpu.memref_slice %arg4[%add3A_29, %dma_wait3A_64, %dma_wait3A_65] : memref<1600x128x64xf32, #tpu.memory_space<hbm>> -> memref<1x128x64xf32, #tpu.memory_space<hbm>>
        %dma_wait3A_67 = tpu.memref_squeeze %dma_wait3A_66 : memref<1x128x64xf32, #tpu.memory_space<hbm>> -> memref<128x64xf32, #tpu.memory_space<hbm>>
        tpu.wait_dma2 semaphore(%run_scoped3A : memref<!tpu.dma_semaphore, #tpu.memory_space<semaphore_mem>>) src(%arg6 : memref<128x64xf32, #tpu.memory_space<vmem>>) dst(%dma_wait3A_67 : memref<128x64xf32, #tpu.memory_space<hbm>>)
        tpu.yield
      }) : () -> ()
      %add3A_30 = arith.constant 2 : i32
      %add3A_31 = arith.addi %mul3A_23, %add3A_30 : i32
      %lt3A = arith.constant 50 : i32
      %lt3A_32 = arith.cmpi slt, %add3A_31, %lt3A : i32
      %convert_element_type3A = arith.extui %lt3A_32 : i1 to i32
      %cond3A = arith.constant 0 : i32
      %cond3A_33 = arith.cmpi ne, %convert_element_type3A, %cond3A : i32
      scf.if %cond3A_33 {
        %add3A_52 = arith.constant 2 : i32
        %add3A_53 = arith.addi %mul3A_23, %add3A_52 : i32
        %dma_start3A_54 = arith.constant 0 : i32
        %dma_start3A_55 = tpu.memref_slice %arg5[%add3A_53, %dma_start3A_54] : memref<50x128xi32, #tpu.memory_space<vmem>> -> memref<1x128xi32, #tpu.memory_space<vmem>>
        %dma_start3A_56 = tpu.memref_squeeze %dma_start3A_55 : memref<1x128xi32, #tpu.memory_space<vmem>> -> memref<128xi32, #tpu.memory_space<vmem>>
        %dma_start3A_57 = arith.constant 0 : i32
        %dma_start3A_58 = arith.constant 0 : i32
        %dma_start3A_59 = tpu.memref_slice %arg2[%dma_start3A_57, %dma_start3A_58] : memref<1007616x64xf32, #tpu.memory_space<hbm>> -> memref<1007616x64xf32, #tpu.memory_space<hbm>>
        tpu.enqueue_indirect_dma source(%dma_start3A_59 : memref<1007616x64xf32, #tpu.memory_space<hbm>>) target(%arg6 : memref<128x64xf32, #tpu.memory_space<vmem>>) offsets(%dma_start3A_56 : memref<128xi32, #tpu.memory_space<vmem>>) semaphore(%arg8 : memref<!tpu.dma_semaphore, #tpu.memory_space<semaphore_mem>>)
      } else {
      }
      %add3A_34 = arith.constant 1 : i32
      %add3A_35 = arith.addi %mul3A_23, %add3A_34 : i32
      %dma_wait3A_36 = arith.constant 0 : i32
      %dma_wait3A_37 = tpu.memref_slice %arg5[%add3A_35, %dma_wait3A_36] : memref<50x128xi32, #tpu.memory_space<vmem>> -> memref<1x128xi32, #tpu.memory_space<vmem>>
      %dma_wait3A_38 = tpu.memref_squeeze %dma_wait3A_37 : memref<1x128xi32, #tpu.memory_space<vmem>> -> memref<128xi32, #tpu.memory_space<vmem>>
      %dma_wait3A_39 = arith.constant 0 : i32
      %dma_wait3A_40 = arith.constant 0 : i32
      %dma_wait3A_41 = tpu.memref_slice %arg2[%dma_wait3A_39, %dma_wait3A_40] : memref<1007616x64xf32, #tpu.memory_space<hbm>> -> memref<1007616x64xf32, #tpu.memory_space<hbm>>
      tpu.wait_indirect_dma semaphore(%arg9 : memref<!tpu.dma_semaphore, #tpu.memory_space<semaphore_mem>>) src(%dma_wait3A_41 : memref<1007616x64xf32, #tpu.memory_space<hbm>>) dst(%arg7 : memref<128x64xf32, #tpu.memory_space<vmem>>)
      %add3A_42 = arith.addi %mul3A_2, %mul3A_23 : i32
      %add3A_43 = arith.constant 1 : i32
      %add3A_44 = arith.addi %add3A_42, %add3A_43 : i32
      "tpu.region"() ({
        %run_scoped3A = tpu.sem_alloc : memref<!tpu.dma_semaphore, #tpu.memory_space<semaphore_mem>>
        %dma_start3A_52 = arith.constant 0 : i32
        %dma_start3A_53 = arith.constant 0 : i32
        %dma_start3A_54 = tpu.memref_slice %arg4[%add3A_44, %dma_start3A_52, %dma_start3A_53] : memref<1600x128x64xf32, #tpu.memory_space<hbm>> -> memref<1x128x64xf32, #tpu.memory_space<hbm>>
        %dma_start3A_55 = tpu.memref_squeeze %dma_start3A_54 : memref<1x128x64xf32, #tpu.memory_space<hbm>> -> memref<128x64xf32, #tpu.memory_space<hbm>>
        %dma_start3A_56 = arith.constant 0 : i32
        %dma_start3A_57 = arith.constant 0 : i32
        %dma_start3A_58 = tpu.memref_slice %arg4[%add3A_44, %dma_start3A_56, %dma_start3A_57] : memref<1600x128x64xf32, #tpu.memory_space<hbm>> -> memref<1x128x64xf32, #tpu.memory_space<hbm>>
        %dma_start3A_59 = tpu.memref_squeeze %dma_start3A_58 : memref<1x128x64xf32, #tpu.memory_space<hbm>> -> memref<128x64xf32, #tpu.memory_space<hbm>>
        tpu.enqueue_dma source(%arg7 : memref<128x64xf32, #tpu.memory_space<vmem>>) target(%dma_start3A_59 : memref<128x64xf32, #tpu.memory_space<hbm>>) target_semaphore(%run_scoped3A : memref<!tpu.dma_semaphore, #tpu.memory_space<semaphore_mem>>)
        %dma_wait3A_60 = arith.constant 0 : i32
        %dma_wait3A_61 = arith.constant 0 : i32
        %dma_wait3A_62 = tpu.memref_slice %arg4[%add3A_44, %dma_wait3A_60, %dma_wait3A_61] : memref<1600x128x64xf32, #tpu.memory_space<hbm>> -> memref<1x128x64xf32, #tpu.memory_space<hbm>>
        %dma_wait3A_63 = tpu.memref_squeeze %dma_wait3A_62 : memref<1x128x64xf32, #tpu.memory_space<hbm>> -> memref<128x64xf32, #tpu.memory_space<hbm>>
        %dma_wait3A_64 = arith.constant 0 : i32
        %dma_wait3A_65 = arith.constant 0 : i32
        %dma_wait3A_66 = tpu.memref_slice %arg4[%add3A_44, %dma_wait3A_64, %dma_wait3A_65] : memref<1600x128x64xf32, #tpu.memory_space<hbm>> -> memref<1x128x64xf32, #tpu.memory_space<hbm>>
        %dma_wait3A_67 = tpu.memref_squeeze %dma_wait3A_66 : memref<1x128x64xf32, #tpu.memory_space<hbm>> -> memref<128x64xf32, #tpu.memory_space<hbm>>
        tpu.wait_dma2 semaphore(%run_scoped3A : memref<!tpu.dma_semaphore, #tpu.memory_space<semaphore_mem>>) src(%arg7 : memref<128x64xf32, #tpu.memory_space<vmem>>) dst(%dma_wait3A_67 : memref<128x64xf32, #tpu.memory_space<hbm>>)
        tpu.yield
      }) : () -> ()
      %add3A_45 = arith.constant 3 : i32
      %add3A_46 = arith.addi %mul3A_23, %add3A_45 : i32
      %lt3A_47 = arith.constant 50 : i32
      %lt3A_48 = arith.cmpi slt, %add3A_46, %lt3A_47 : i32
      %convert_element_type3A_49 = arith.extui %lt3A_48 : i1 to i32
      %cond3A_50 = arith.constant 0 : i32
      %cond3A_51 = arith.cmpi ne, %convert_element_type3A_49, %cond3A_50 : i32
      scf.if %cond3A_51 {
        %add3A_52 = arith.constant 3 : i32
        %add3A_53 = arith.addi %mul3A_23, %add3A_52 : i32
        %dma_start3A_54 = arith.constant 0 : i32
        %dma_start3A_55 = tpu.memref_slice %arg5[%add3A_53, %dma_start3A_54] : memref<50x128xi32, #tpu.memory_space<vmem>> -> memref<1x128xi32, #tpu.memory_space<vmem>>
        %dma_start3A_56 = tpu.memref_squeeze %dma_start3A_55 : memref<1x128xi32, #tpu.memory_space<vmem>> -> memref<128xi32, #tpu.memory_space<vmem>>
        %dma_start3A_57 = arith.constant 0 : i32
        %dma_start3A_58 = arith.constant 0 : i32
        %dma_start3A_59 = tpu.memref_slice %arg2[%dma_start3A_57, %dma_start3A_58] : memref<1007616x64xf32, #tpu.memory_space<hbm>> -> memref<1007616x64xf32, #tpu.memory_space<hbm>>
        tpu.enqueue_indirect_dma source(%dma_start3A_59 : memref<1007616x64xf32, #tpu.memory_space<hbm>>) target(%arg7 : memref<128x64xf32, #tpu.memory_space<vmem>>) offsets(%dma_start3A_56 : memref<128xi32, #tpu.memory_space<vmem>>) semaphore(%arg9 : memref<!tpu.dma_semaphore, #tpu.memory_space<semaphore_mem>>)
      } else {
      }
    }
    %scan3A_20 = arith.constant 25 : i32
    return
  }
}

#map = affine_map<(d0, d1) -> (0, 0)>
#map1 = affine_map<(d0, d1) -> (0, 0, 0)>
module attributes {stable_mosaic.version = 14 : i64} {
  func.func @lookup(%arg0: i32, %arg1: i32, %arg2: memref<1007616x64xf32, #tpu.memory_space<hbm>>, %arg3: memref<1600x128xi32, #tpu.memory_space<hbm>>, %arg4: memref<1600x128x64xf32, #tpu.memory_space<hbm>>, %arg5: memref<50x128xi32, #tpu.memory_space<vmem>>, %arg6: memref<128x64xf32, #tpu.memory_space<vmem>>, %arg7: memref<128x64xf32, #tpu.memory_space<vmem>>, %arg8: memref<!tpu.dma_semaphore, #tpu.memory_space<semaphore_mem>>, %arg9: memref<!tpu.dma_semaphore, #tpu.memory_space<semaphore_mem>>) attributes {dimension_semantics = [#tpu.dimension_semantics<core_parallel>, #tpu.dimension_semantics<subcore_parallel>], iteration_bounds = array<i64: 2, 16>, scalar_prefetch = 0 : i64, scratch_operands = 5 : i64, tpu.core_type = #tpu.core_type<sc_vector_subcore>, window_params = [{transform_indices = #map}, {transform_indices = #map}, {transform_indices = #map1}]} {
    %mul3A = arith.constant 2 : i32
    %mul3A_0 = arith.muli %arg1, %mul3A : i32
    %add3A = arith.addi %mul3A_0, %arg0 : i32
    %mul3A_1 = arith.constant 50 : i32
    %mul3A_2 = arith.muli %add3A, %mul3A_1 : i32
    "tpu.region"() ({
      %run_scoped3A = tpu.sem_alloc : memref<!tpu.dma_semaphore, #tpu.memory_space<semaphore_mem>>
      %dma_start3A_21 = arith.constant 0 : i32
      %dma_start3A_22 = tpu.memref_slice %arg3[%mul3A_2, %dma_start3A_21] : memref<1600x128xi32, #tpu.memory_space<hbm>> -> memref<50x128xi32, #tpu.memory_space<hbm>>
      %dma_start3A_23 = arith.constant 0 : i32
      %dma_start3A_24 = tpu.memref_slice %arg3[%mul3A_2, %dma_start3A_23] : memref<1600x128xi32, #tpu.memory_space<hbm>> -> memref<50x128xi32, #tpu.memory_space<hbm>>
      tpu.enqueue_dma source(%dma_start3A_24 : memref<50x128xi32, #tpu.memory_space<hbm>>) target(%arg5 : memref<50x128xi32, #tpu.memory_space<vmem>>) target_semaphore(%run_scoped3A : memref<!tpu.dma_semaphore, #tpu.memory_space<semaphore_mem>>)
      %dma_wait3A = arith.constant 0 : i32
      %dma_wait3A_25 = tpu.memref_slice %arg3[%mul3A_2, %dma_wait3A] : memref<1600x128xi32, #tpu.memory_space<hbm>> -> memref<50x128xi32, #tpu.memory_space<hbm>>
      %dma_wait3A_26 = arith.constant 0 : i32
      %dma_wait3A_27 = tpu.memref_slice %arg3[%mul3A_2, %dma_wait3A_26] : memref<1600x128xi32, #tpu.memory_space<hbm>> -> memref<50x128xi32, #tpu.memory_space<hbm>>
      tpu.wait_dma2 semaphore(%run_scoped3A : memref<!tpu.dma_semaphore, #tpu.memory_space<semaphore_mem>>) src(%dma_wait3A_27 : memref<50x128xi32, #tpu.memory_space<hbm>>) dst(%arg5 : memref<50x128xi32, #tpu.memory_space<vmem>>)
      tpu.yield
    }) : () -> ()
    %dma_start3A = arith.constant 0 : i32
    %dma_start3A_3 = arith.constant 0 : i32
    %dma_start3A_4 = tpu.memref_slice %arg5[%dma_start3A, %dma_start3A_3] : memref<50x128xi32, #tpu.memory_space<vmem>> -> memref<1x128xi32, #tpu.memory_space<vmem>>
    %dma_start3A_5 = tpu.memref_squeeze %dma_start3A_4 : memref<1x128xi32, #tpu.memory_space<vmem>> -> memref<128xi32, #tpu.memory_space<vmem>>
    %dma_start3A_6 = arith.constant 0 : i32
    %dma_start3A_7 = arith.constant 0 : i32
    %dma_start3A_8 = tpu.memref_slice %arg2[%dma_start3A_6, %dma_start3A_7] : memref<1007616x64xf32, #tpu.memory_space<hbm>> -> memref<1007616x64xf32, #tpu.memory_space<hbm>>
    tpu.enqueue_indirect_dma source(%dma_start3A_8 : memref<1007616x64xf32, #tpu.memory_space<hbm>>) target(%arg6 : memref<128x64xf32, #tpu.memory_space<vmem>>) offsets(%dma_start3A_5 : memref<128xi32, #tpu.memory_space<vmem>>) semaphore(%arg8 : memref<!tpu.dma_semaphore, #tpu.memory_space<semaphore_mem>>)
    %dma_start3A_9 = arith.constant 1 : i32
    %dma_start3A_10 = arith.constant 0 : i32
    %dma_start3A_11 = tpu.memref_slice %arg5[%dma_start3A_9, %dma_start3A_10] : memref<50x128xi32, #tpu.memory_space<vmem>> -> memref<1x128xi32, #tpu.memory_space<vmem>>
    %dma_start3A_12 = tpu.memref_squeeze %dma_start3A_11 : memref<1x128xi32, #tpu.memory_space<vmem>> -> memref<128xi32, #tpu.memory_space<vmem>>
    %dma_start3A_13 = arith.constant 0 : i32
    %dma_start3A_14 = arith.constant 0 : i32
    %dma_start3A_15 = tpu.memref_slice %arg2[%dma_start3A_13, %dma_start3A_14] : memref<1007616x64xf32, #tpu.memory_space<hbm>> -> memref<1007616x64xf32, #tpu.memory_space<hbm>>
    tpu.enqueue_indirect_dma source(%dma_start3A_15 : memref<1007616x64xf32, #tpu.memory_space<hbm>>) target(%arg7 : memref<128x64xf32, #tpu.memory_space<vmem>>) offsets(%dma_start3A_12 : memref<128xi32, #tpu.memory_space<vmem>>) semaphore(%arg9 : memref<!tpu.dma_semaphore, #tpu.memory_space<semaphore_mem>>)
    %scan3A = arith.constant 0 : i32
    %scan3A_16 = arith.constant 0 : i32
    %scan3A_17 = arith.constant 25 : i32
    %scan3A_18 = arith.addi %scan3A_16, %scan3A_17 : i32
    %scan3A_19 = arith.constant 1 : i32
    scf.for %scan3A_21 = %scan3A_16 to %scan3A_18 step %scan3A_19  : i32 {
      %mul3A_22 = arith.constant 2 : i32
      %mul3A_23 = arith.muli %mul3A_22, %scan3A_21 : i32
      %dma_wait3A = arith.constant 0 : i32
      %dma_wait3A_24 = tpu.memref_slice %arg5[%mul3A_23, %dma_wait3A] : memref<50x128xi32, #tpu.memory_space<vmem>> -> memref<1x128xi32, #tpu.memory_space<vmem>>
      %dma_wait3A_25 = tpu.memref_squeeze %dma_wait3A_24 : memref<1x128xi32, #tpu.memory_space<vmem>> -> memref<128xi32, #tpu.memory_space<vmem>>
      %dma_wait3A_26 = arith.constant 0 : i32
      %dma_wait3A_27 = arith.constant 0 : i32
      %dma_wait3A_28 = tpu.memref_slice %arg2[%dma_wait3A_26, %dma_wait3A_27] : memref<1007616x64xf32, #tpu.memory_space<hbm>> -> memref<1007616x64xf32, #tpu.memory_space<hbm>>
      tpu.wait_indirect_dma semaphore(%arg8 : memref<!tpu.dma_semaphore, #tpu.memory_space<semaphore_mem>>) src(%dma_wait3A_28 : memref<1007616x64xf32, #tpu.memory_space<hbm>>) dst(%arg6 : memref<128x64xf32, #tpu.memory_space<vmem>>)
      %add3A_29 = arith.addi %mul3A_2, %mul3A_23 : i32
      "tpu.region"() ({
        %run_scoped3A = tpu.sem_alloc : memref<!tpu.dma_semaphore, #tpu.memory_space<semaphore_mem>>
        %dma_start3A_52 = arith.constant 0 : i32
        %dma_start3A_53 = arith.constant 0 : i32
        %dma_start3A_54 = tpu.memref_slice %arg4[%add3A_29, %dma_start3A_52, %dma_start3A_53] : memref<1600x128x64xf32, #tpu.memory_space<hbm>> -> memref<1x128x64xf32, #tpu.memory_space<hbm>>
        %dma_start3A_55 = tpu.memref_squeeze %dma_start3A_54 : memref<1x128x64xf32, #tpu.memory_space<hbm>> -> memref<128x64xf32, #tpu.memory_space<hbm>>
        %dma_start3A_56 = arith.constant 0 : i32
        %dma_start3A_57 = arith.constant 0 : i32
        %dma_start3A_58 = tpu.memref_slice %arg4[%add3A_29, %dma_start3A_56, %dma_start3A_57] : memref<1600x128x64xf32, #tpu.memory_space<hbm>> -> memref<1x128x64xf32, #tpu.memory_space<hbm>>
        %dma_start3A_59 = tpu.memref_squeeze %dma_start3A_58 : memref<1x128x64xf32, #tpu.memory_space<hbm>> -> memref<128x64xf32, #tpu.memory_space<hbm>>
        tpu.enqueue_dma source(%arg6 : memref<128x64xf32, #tpu.memory_space<vmem>>) target(%dma_start3A_59 : memref<128x64xf32, #tpu.memory_space<hbm>>) target_semaphore(%run_scoped3A : memref<!tpu.dma_semaphore, #tpu.memory_space<semaphore_mem>>)
        %dma_wait3A_60 = arith.constant 0 : i32
        %dma_wait3A_61 = arith.constant 0 : i32
        %dma_wait3A_62 = tpu.memref_slice %arg4[%add3A_29, %dma_wait3A_60, %dma_wait3A_61] : memref<1600x128x64xf32, #tpu.memory_space<hbm>> -> memref<1x128x64xf32, #tpu.memory_space<hbm>>
        %dma_wait3A_63 = tpu.memref_squeeze %dma_wait3A_62 : memref<1x128x64xf32, #tpu.memory_space<hbm>> -> memref<128x64xf32, #tpu.memory_space<hbm>>
        %dma_wait3A_64 = arith.constant 0 : i32
        %dma_wait3A_65 = arith.constant 0 : i32
        %dma_wait3A_66 = tpu.memref_slice %arg4[%add3A_29, %dma_wait3A_64, %dma_wait3A_65] : memref<1600x128x64xf32, #tpu.memory_space<hbm>> -> memref<1x128x64xf32, #tpu.memory_space<hbm>>
        %dma_wait3A_67 = tpu.memref_squeeze %dma_wait3A_66 : memref<1x128x64xf32, #tpu.memory_space<hbm>> -> memref<128x64xf32, #tpu.memory_space<hbm>>
        tpu.wait_dma2 semaphore(%run_scoped3A : memref<!tpu.dma_semaphore, #tpu.memory_space<semaphore_mem>>) src(%arg6 : memref<128x64xf32, #tpu.memory_space<vmem>>) dst(%dma_wait3A_67 : memref<128x64xf32, #tpu.memory_space<hbm>>)
        tpu.yield
      }) : () -> ()
      %add3A_30 = arith.constant 2 : i32
      %add3A_31 = arith.addi %mul3A_23, %add3A_30 : i32
      %lt3A = arith.constant 50 : i32
      %lt3A_32 = arith.cmpi slt, %add3A_31, %lt3A : i32
      %convert_element_type3A = arith.extui %lt3A_32 : i1 to i32
      %cond3A = arith.constant 0 : i32
      %cond3A_33 = arith.cmpi ne, %convert_element_type3A, %cond3A : i32
      scf.if %cond3A_33 {
        %add3A_52 = arith.constant 2 : i32
        %add3A_53 = arith.addi %mul3A_23, %add3A_52 : i32
        %dma_start3A_54 = arith.constant 0 : i32
        %dma_start3A_55 = tpu.memref_slice %arg5[%add3A_53, %dma_start3A_54] : memref<50x128xi32, #tpu.memory_space<vmem>> -> memref<1x128xi32, #tpu.memory_space<vmem>>
        %dma_start3A_56 = tpu.memref_squeeze %dma_start3A_55 : memref<1x128xi32, #tpu.memory_space<vmem>> -> memref<128xi32, #tpu.memory_space<vmem>>
        %dma_start3A_57 = arith.constant 0 : i32
        %dma_start3A_58 = arith.constant 0 : i32
        %dma_start3A_59 = tpu.memref_slice %arg2[%dma_start3A_57, %dma_start3A_58] : memref<1007616x64xf32, #tpu.memory_space<hbm>> -> memref<1007616x64xf32, #tpu.memory_space<hbm>>
        tpu.enqueue_indirect_dma source(%dma_start3A_59 : memref<1007616x64xf32, #tpu.memory_space<hbm>>) target(%arg6 : memref<128x64xf32, #tpu.memory_space<vmem>>) offsets(%dma_start3A_56 : memref<128xi32, #tpu.memory_space<vmem>>) semaphore(%arg8 : memref<!tpu.dma_semaphore, #tpu.memory_space<semaphore_mem>>)
      } else {
      }
      %add3A_34 = arith.constant 1 : i32
      %add3A_35 = arith.addi %mul3A_23, %add3A_34 : i32
      %dma_wait3A_36 = arith.constant 0 : i32
      %dma_wait3A_37 = tpu.memref_slice %arg5[%add3A_35, %dma_wait3A_36] : memref<50x128xi32, #tpu.memory_space<vmem>> -> memref<1x128xi32, #tpu.memory_space<vmem>>
      %dma_wait3A_38 = tpu.memref_squeeze %dma_wait3A_37 : memref<1x128xi32, #tpu.memory_space<vmem>> -> memref<128xi32, #tpu.memory_space<vmem>>
      %dma_wait3A_39 = arith.constant 0 : i32
      %dma_wait3A_40 = arith.constant 0 : i32
      %dma_wait3A_41 = tpu.memref_slice %arg2[%dma_wait3A_39, %dma_wait3A_40] : memref<1007616x64xf32, #tpu.memory_space<hbm>> -> memref<1007616x64xf32, #tpu.memory_space<hbm>>
      tpu.wait_indirect_dma semaphore(%arg9 : memref<!tpu.dma_semaphore, #tpu.memory_space<semaphore_mem>>) src(%dma_wait3A_41 : memref<1007616x64xf32, #tpu.memory_space<hbm>>) dst(%arg7 : memref<128x64xf32, #tpu.memory_space<vmem>>)
      %add3A_42 = arith.addi %mul3A_2, %mul3A_23 : i32
      %add3A_43 = arith.constant 1 : i32
      %add3A_44 = arith.addi %add3A_42, %add3A_43 : i32
      "tpu.region"() ({
        %run_scoped3A = tpu.sem_alloc : memref<!tpu.dma_semaphore, #tpu.memory_space<semaphore_mem>>
        %dma_start3A_52 = arith.constant 0 : i32
        %dma_start3A_53 = arith.constant 0 : i32
        %dma_start3A_54 = tpu.memref_slice %arg4[%add3A_44, %dma_start3A_52, %dma_start3A_53] : memref<1600x128x64xf32, #tpu.memory_space<hbm>> -> memref<1x128x64xf32, #tpu.memory_space<hbm>>
        %dma_start3A_55 = tpu.memref_squeeze %dma_start3A_54 : memref<1x128x64xf32, #tpu.memory_space<hbm>> -> memref<128x64xf32, #tpu.memory_space<hbm>>
        %dma_start3A_56 = arith.constant 0 : i32
        %dma_start3A_57 = arith.constant 0 : i32
        %dma_start3A_58 = tpu.memref_slice %arg4[%add3A_44, %dma_start3A_56, %dma_start3A_57] : memref<1600x128x64xf32, #tpu.memory_space<hbm>> -> memref<1x128x64xf32, #tpu.memory_space<hbm>>
        %dma_start3A_59 = tpu.memref_squeeze %dma_start3A_58 : memref<1x128x64xf32, #tpu.memory_space<hbm>> -> memref<128x64xf32, #tpu.memory_space<hbm>>
        tpu.enqueue_dma source(%arg7 : memref<128x64xf32, #tpu.memory_space<vmem>>) target(%dma_start3A_59 : memref<128x64xf32, #tpu.memory_space<hbm>>) target_semaphore(%run_scoped3A : memref<!tpu.dma_semaphore, #tpu.memory_space<semaphore_mem>>)
        %dma_wait3A_60 = arith.constant 0 : i32
        %dma_wait3A_61 = arith.constant 0 : i32
        %dma_wait3A_62 = tpu.memref_slice %arg4[%add3A_44, %dma_wait3A_60, %dma_wait3A_61] : memref<1600x128x64xf32, #tpu.memory_space<hbm>> -> memref<1x128x64xf32, #tpu.memory_space<hbm>>
        %dma_wait3A_63 = tpu.memref_squeeze %dma_wait3A_62 : memref<1x128x64xf32, #tpu.memory_space<hbm>> -> memref<128x64xf32, #tpu.memory_space<hbm>>
        %dma_wait3A_64 = arith.constant 0 : i32
        %dma_wait3A_65 = arith.constant 0 : i32
        %dma_wait3A_66 = tpu.memref_slice %arg4[%add3A_44, %dma_wait3A_64, %dma_wait3A_65] : memref<1600x128x64xf32, #tpu.memory_space<hbm>> -> memref<1x128x64xf32, #tpu.memory_space<hbm>>
        %dma_wait3A_67 = tpu.memref_squeeze %dma_wait3A_66 : memref<1x128x64xf32, #tpu.memory_space<hbm>> -> memref<128x64xf32, #tpu.memory_space<hbm>>
        tpu.wait_dma2 semaphore(%run_scoped3A : memref<!tpu.dma_semaphore, #tpu.memory_space<semaphore_mem>>) src(%arg7 : memref<128x64xf32, #tpu.memory_space<vmem>>) dst(%dma_wait3A_67 : memref<128x64xf32, #tpu.memory_space<hbm>>)
        tpu.yield
      }) : () -> ()
      %add3A_45 = arith.constant 3 : i32
      %add3A_46 = arith.addi %mul3A_23, %add3A_45 : i32
      %lt3A_47 = arith.constant 50 : i32
      %lt3A_48 = arith.cmpi slt, %add3A_46, %lt3A_47 : i32
      %convert_element_type3A_49 = arith.extui %lt3A_48 : i1 to i32
      %cond3A_50 = arith.constant 0 : i32
      %cond3A_51 = arith.cmpi ne, %convert_element_type3A_49, %cond3A_50 : i32
      scf.if %cond3A_51 {
        %add3A_52 = arith.constant 3 : i32
        %add3A_53 = arith.addi %mul3A_23, %add3A_52 : i32
        %dma_start3A_54 = arith.constant 0 : i32
        %dma_start3A_55 = tpu.memref_slice %arg5[%add3A_53, %dma_start3A_54] : memref<50x128xi32, #tpu.memory_space<vmem>> -> memref<1x128xi32, #tpu.memory_space<vmem>>
        %dma_start3A_56 = tpu.memref_squeeze %dma_start3A_55 : memref<1x128xi32, #tpu.memory_space<vmem>> -> memref<128xi32, #tpu.memory_space<vmem>>
        %dma_start3A_57 = arith.constant 0 : i32
        %dma_start3A_58 = arith.constant 0 : i32
        %dma_start3A_59 = tpu.memref_slice %arg2[%dma_start3A_57, %dma_start3A_58] : memref<1007616x64xf32, #tpu.memory_space<hbm>> -> memref<1007616x64xf32, #tpu.memory_space<hbm>>
        tpu.enqueue_indirect_dma source(%dma_start3A_59 : memref<1007616x64xf32, #tpu.memory_space<hbm>>) target(%arg7 : memref<128x64xf32, #tpu.memory_space<vmem>>) offsets(%dma_start3A_56 : memref<128xi32, #tpu.memory_space<vmem>>) semaphore(%arg9 : memref<!tpu.dma_semaphore, #tpu.memory_space<semaphore_mem>>)
      } else {
      }
    }
    %scan3A_20 = arith.constant 25 : i32
    return
  }
}

#map = affine_map<(d0, d1) -> (0, 0)>
#map1 = affine_map<(d0, d1) -> (0, 0, 0)>
module attributes {stable_mosaic.version = 14 : i64} {
  func.func @lookup(%arg0: i32, %arg1: i32, %arg2: memref<1007616x64xf32, #tpu.memory_space<hbm>>, %arg3: memref<1600x128xi32, #tpu.memory_space<hbm>>, %arg4: memref<1600x128x64xf32, #tpu.memory_space<hbm>>, %arg5: memref<50x128xi32, #tpu.memory_space<vmem>>, %arg6: memref<128x64xf32, #tpu.memory_space<vmem>>, %arg7: memref<128x64xf32, #tpu.memory_space<vmem>>, %arg8: memref<!tpu.dma_semaphore, #tpu.memory_space<semaphore_mem>>, %arg9: memref<!tpu.dma_semaphore, #tpu.memory_space<semaphore_mem>>) attributes {dimension_semantics = [#tpu.dimension_semantics<core_parallel>, #tpu.dimension_semantics<subcore_parallel>], iteration_bounds = array<i64: 2, 16>, scalar_prefetch = 0 : i64, scratch_operands = 5 : i64, tpu.core_type = #tpu.core_type<sc_vector_subcore>, window_params = [{transform_indices = #map}, {transform_indices = #map}, {transform_indices = #map1}]} {
    %mul3A = arith.constant 2 : i32
    %mul3A_0 = arith.muli %arg1, %mul3A : i32
    %add3A = arith.addi %mul3A_0, %arg0 : i32
    %mul3A_1 = arith.constant 50 : i32
    %mul3A_2 = arith.muli %add3A, %mul3A_1 : i32
    "tpu.region"() ({
      %run_scoped3A = tpu.sem_alloc : memref<!tpu.dma_semaphore, #tpu.memory_space<semaphore_mem>>
      %dma_start3A_21 = arith.constant 0 : i32
      %dma_start3A_22 = tpu.memref_slice %arg3[%mul3A_2, %dma_start3A_21] : memref<1600x128xi32, #tpu.memory_space<hbm>> -> memref<50x128xi32, #tpu.memory_space<hbm>>
      %dma_start3A_23 = arith.constant 0 : i32
      %dma_start3A_24 = tpu.memref_slice %arg3[%mul3A_2, %dma_start3A_23] : memref<1600x128xi32, #tpu.memory_space<hbm>> -> memref<50x128xi32, #tpu.memory_space<hbm>>
      tpu.enqueue_dma source(%dma_start3A_24 : memref<50x128xi32, #tpu.memory_space<hbm>>) target(%arg5 : memref<50x128xi32, #tpu.memory_space<vmem>>) target_semaphore(%run_scoped3A : memref<!tpu.dma_semaphore, #tpu.memory_space<semaphore_mem>>)
      %dma_wait3A = arith.constant 0 : i32
      %dma_wait3A_25 = tpu.memref_slice %arg3[%mul3A_2, %dma_wait3A] : memref<1600x128xi32, #tpu.memory_space<hbm>> -> memref<50x128xi32, #tpu.memory_space<hbm>>
      %dma_wait3A_26 = arith.constant 0 : i32
      %dma_wait3A_27 = tpu.memref_slice %arg3[%mul3A_2, %dma_wait3A_26] : memref<1600x128xi32, #tpu.memory_space<hbm>> -> memref<50x128xi32, #tpu.memory_space<hbm>>
      tpu.wait_dma2 semaphore(%run_scoped3A : memref<!tpu.dma_semaphore, #tpu.memory_space<semaphore_mem>>) src(%dma_wait3A_27 : memref<50x128xi32, #tpu.memory_space<hbm>>) dst(%arg5 : memref<50x128xi32, #tpu.memory_space<vmem>>)
      tpu.yield
    }) : () -> ()
    %dma_start3A = arith.constant 0 : i32
    %dma_start3A_3 = arith.constant 0 : i32
    %dma_start3A_4 = tpu.memref_slice %arg5[%dma_start3A, %dma_start3A_3] : memref<50x128xi32, #tpu.memory_space<vmem>> -> memref<1x128xi32, #tpu.memory_space<vmem>>
    %dma_start3A_5 = tpu.memref_squeeze %dma_start3A_4 : memref<1x128xi32, #tpu.memory_space<vmem>> -> memref<128xi32, #tpu.memory_space<vmem>>
    %dma_start3A_6 = arith.constant 0 : i32
    %dma_start3A_7 = arith.constant 0 : i32
    %dma_start3A_8 = tpu.memref_slice %arg2[%dma_start3A_6, %dma_start3A_7] : memref<1007616x64xf32, #tpu.memory_space<hbm>> -> memref<1007616x64xf32, #tpu.memory_space<hbm>>
    tpu.enqueue_indirect_dma source(%dma_start3A_8 : memref<1007616x64xf32, #tpu.memory_space<hbm>>) target(%arg6 : memref<128x64xf32, #tpu.memory_space<vmem>>) offsets(%dma_start3A_5 : memref<128xi32, #tpu.memory_space<vmem>>) semaphore(%arg8 : memref<!tpu.dma_semaphore, #tpu.memory_space<semaphore_mem>>)
    %dma_start3A_9 = arith.constant 1 : i32
    %dma_start3A_10 = arith.constant 0 : i32
    %dma_start3A_11 = tpu.memref_slice %arg5[%dma_start3A_9, %dma_start3A_10] : memref<50x128xi32, #tpu.memory_space<vmem>> -> memref<1x128xi32, #tpu.memory_space<vmem>>
    %dma_start3A_12 = tpu.memref_squeeze %dma_start3A_11 : memref<1x128xi32, #tpu.memory_space<vmem>> -> memref<128xi32, #tpu.memory_space<vmem>>
    %dma_start3A_13 = arith.constant 0 : i32
    %dma_start3A_14 = arith.constant 0 : i32
    %dma_start3A_15 = tpu.memref_slice %arg2[%dma_start3A_13, %dma_start3A_14] : memref<1007616x64xf32, #tpu.memory_space<hbm>> -> memref<1007616x64xf32, #tpu.memory_space<hbm>>
    tpu.enqueue_indirect_dma source(%dma_start3A_15 : memref<1007616x64xf32, #tpu.memory_space<hbm>>) target(%arg7 : memref<128x64xf32, #tpu.memory_space<vmem>>) offsets(%dma_start3A_12 : memref<128xi32, #tpu.memory_space<vmem>>) semaphore(%arg9 : memref<!tpu.dma_semaphore, #tpu.memory_space<semaphore_mem>>)
    %scan3A = arith.constant 0 : i32
    %scan3A_16 = arith.constant 0 : i32
    %scan3A_17 = arith.constant 25 : i32
    %scan3A_18 = arith.addi %scan3A_16, %scan3A_17 : i32
    %scan3A_19 = arith.constant 1 : i32
    scf.for %scan3A_21 = %scan3A_16 to %scan3A_18 step %scan3A_19  : i32 {
      %mul3A_22 = arith.constant 2 : i32
      %mul3A_23 = arith.muli %mul3A_22, %scan3A_21 : i32
      %dma_wait3A = arith.constant 0 : i32
      %dma_wait3A_24 = tpu.memref_slice %arg5[%mul3A_23, %dma_wait3A] : memref<50x128xi32, #tpu.memory_space<vmem>> -> memref<1x128xi32, #tpu.memory_space<vmem>>
      %dma_wait3A_25 = tpu.memref_squeeze %dma_wait3A_24 : memref<1x128xi32, #tpu.memory_space<vmem>> -> memref<128xi32, #tpu.memory_space<vmem>>
      %dma_wait3A_26 = arith.constant 0 : i32
      %dma_wait3A_27 = arith.constant 0 : i32
      %dma_wait3A_28 = tpu.memref_slice %arg2[%dma_wait3A_26, %dma_wait3A_27] : memref<1007616x64xf32, #tpu.memory_space<hbm>> -> memref<1007616x64xf32, #tpu.memory_space<hbm>>
      tpu.wait_indirect_dma semaphore(%arg8 : memref<!tpu.dma_semaphore, #tpu.memory_space<semaphore_mem>>) src(%dma_wait3A_28 : memref<1007616x64xf32, #tpu.memory_space<hbm>>) dst(%arg6 : memref<128x64xf32, #tpu.memory_space<vmem>>)
      %add3A_29 = arith.addi %mul3A_2, %mul3A_23 : i32
      "tpu.region"() ({
        %run_scoped3A = tpu.sem_alloc : memref<!tpu.dma_semaphore, #tpu.memory_space<semaphore_mem>>
        %dma_start3A_52 = arith.constant 0 : i32
        %dma_start3A_53 = arith.constant 0 : i32
        %dma_start3A_54 = tpu.memref_slice %arg4[%add3A_29, %dma_start3A_52, %dma_start3A_53] : memref<1600x128x64xf32, #tpu.memory_space<hbm>> -> memref<1x128x64xf32, #tpu.memory_space<hbm>>
        %dma_start3A_55 = tpu.memref_squeeze %dma_start3A_54 : memref<1x128x64xf32, #tpu.memory_space<hbm>> -> memref<128x64xf32, #tpu.memory_space<hbm>>
        %dma_start3A_56 = arith.constant 0 : i32
        %dma_start3A_57 = arith.constant 0 : i32
        %dma_start3A_58 = tpu.memref_slice %arg4[%add3A_29, %dma_start3A_56, %dma_start3A_57] : memref<1600x128x64xf32, #tpu.memory_space<hbm>> -> memref<1x128x64xf32, #tpu.memory_space<hbm>>
        %dma_start3A_59 = tpu.memref_squeeze %dma_start3A_58 : memref<1x128x64xf32, #tpu.memory_space<hbm>> -> memref<128x64xf32, #tpu.memory_space<hbm>>
        tpu.enqueue_dma source(%arg6 : memref<128x64xf32, #tpu.memory_space<vmem>>) target(%dma_start3A_59 : memref<128x64xf32, #tpu.memory_space<hbm>>) target_semaphore(%run_scoped3A : memref<!tpu.dma_semaphore, #tpu.memory_space<semaphore_mem>>)
        %dma_wait3A_60 = arith.constant 0 : i32
        %dma_wait3A_61 = arith.constant 0 : i32
        %dma_wait3A_62 = tpu.memref_slice %arg4[%add3A_29, %dma_wait3A_60, %dma_wait3A_61] : memref<1600x128x64xf32, #tpu.memory_space<hbm>> -> memref<1x128x64xf32, #tpu.memory_space<hbm>>
        %dma_wait3A_63 = tpu.memref_squeeze %dma_wait3A_62 : memref<1x128x64xf32, #tpu.memory_space<hbm>> -> memref<128x64xf32, #tpu.memory_space<hbm>>
        %dma_wait3A_64 = arith.constant 0 : i32
        %dma_wait3A_65 = arith.constant 0 : i32
        %dma_wait3A_66 = tpu.memref_slice %arg4[%add3A_29, %dma_wait3A_64, %dma_wait3A_65] : memref<1600x128x64xf32, #tpu.memory_space<hbm>> -> memref<1x128x64xf32, #tpu.memory_space<hbm>>
        %dma_wait3A_67 = tpu.memref_squeeze %dma_wait3A_66 : memref<1x128x64xf32, #tpu.memory_space<hbm>> -> memref<128x64xf32, #tpu.memory_space<hbm>>
        tpu.wait_dma2 semaphore(%run_scoped3A : memref<!tpu.dma_semaphore, #tpu.memory_space<semaphore_mem>>) src(%arg6 : memref<128x64xf32, #tpu.memory_space<vmem>>) dst(%dma_wait3A_67 : memref<128x64xf32, #tpu.memory_space<hbm>>)
        tpu.yield
      }) : () -> ()
      %add3A_30 = arith.constant 2 : i32
      %add3A_31 = arith.addi %mul3A_23, %add3A_30 : i32
      %lt3A = arith.constant 50 : i32
      %lt3A_32 = arith.cmpi slt, %add3A_31, %lt3A : i32
      %convert_element_type3A = arith.extui %lt3A_32 : i1 to i32
      %cond3A = arith.constant 0 : i32
      %cond3A_33 = arith.cmpi ne, %convert_element_type3A, %cond3A : i32
      scf.if %cond3A_33 {
        %add3A_52 = arith.constant 2 : i32
        %add3A_53 = arith.addi %mul3A_23, %add3A_52 : i32
        %dma_start3A_54 = arith.constant 0 : i32
        %dma_start3A_55 = tpu.memref_slice %arg5[%add3A_53, %dma_start3A_54] : memref<50x128xi32, #tpu.memory_space<vmem>> -> memref<1x128xi32, #tpu.memory_space<vmem>>
        %dma_start3A_56 = tpu.memref_squeeze %dma_start3A_55 : memref<1x128xi32, #tpu.memory_space<vmem>> -> memref<128xi32, #tpu.memory_space<vmem>>
        %dma_start3A_57 = arith.constant 0 : i32
        %dma_start3A_58 = arith.constant 0 : i32
        %dma_start3A_59 = tpu.memref_slice %arg2[%dma_start3A_57, %dma_start3A_58] : memref<1007616x64xf32, #tpu.memory_space<hbm>> -> memref<1007616x64xf32, #tpu.memory_space<hbm>>
        tpu.enqueue_indirect_dma source(%dma_start3A_59 : memref<1007616x64xf32, #tpu.memory_space<hbm>>) target(%arg6 : memref<128x64xf32, #tpu.memory_space<vmem>>) offsets(%dma_start3A_56 : memref<128xi32, #tpu.memory_space<vmem>>) semaphore(%arg8 : memref<!tpu.dma_semaphore, #tpu.memory_space<semaphore_mem>>)
      } else {
      }
      %add3A_34 = arith.constant 1 : i32
      %add3A_35 = arith.addi %mul3A_23, %add3A_34 : i32
      %dma_wait3A_36 = arith.constant 0 : i32
      %dma_wait3A_37 = tpu.memref_slice %arg5[%add3A_35, %dma_wait3A_36] : memref<50x128xi32, #tpu.memory_space<vmem>> -> memref<1x128xi32, #tpu.memory_space<vmem>>
      %dma_wait3A_38 = tpu.memref_squeeze %dma_wait3A_37 : memref<1x128xi32, #tpu.memory_space<vmem>> -> memref<128xi32, #tpu.memory_space<vmem>>
      %dma_wait3A_39 = arith.constant 0 : i32
      %dma_wait3A_40 = arith.constant 0 : i32
      %dma_wait3A_41 = tpu.memref_slice %arg2[%dma_wait3A_39, %dma_wait3A_40] : memref<1007616x64xf32, #tpu.memory_space<hbm>> -> memref<1007616x64xf32, #tpu.memory_space<hbm>>
      tpu.wait_indirect_dma semaphore(%arg9 : memref<!tpu.dma_semaphore, #tpu.memory_space<semaphore_mem>>) src(%dma_wait3A_41 : memref<1007616x64xf32, #tpu.memory_space<hbm>>) dst(%arg7 : memref<128x64xf32, #tpu.memory_space<vmem>>)
      %add3A_42 = arith.addi %mul3A_2, %mul3A_23 : i32
      %add3A_43 = arith.constant 1 : i32
      %add3A_44 = arith.addi %add3A_42, %add3A_43 : i32
      "tpu.region"() ({
        %run_scoped3A = tpu.sem_alloc : memref<!tpu.dma_semaphore, #tpu.memory_space<semaphore_mem>>
        %dma_start3A_52 = arith.constant 0 : i32
        %dma_start3A_53 = arith.constant 0 : i32
        %dma_start3A_54 = tpu.memref_slice %arg4[%add3A_44, %dma_start3A_52, %dma_start3A_53] : memref<1600x128x64xf32, #tpu.memory_space<hbm>> -> memref<1x128x64xf32, #tpu.memory_space<hbm>>
        %dma_start3A_55 = tpu.memref_squeeze %dma_start3A_54 : memref<1x128x64xf32, #tpu.memory_space<hbm>> -> memref<128x64xf32, #tpu.memory_space<hbm>>
        %dma_start3A_56 = arith.constant 0 : i32
        %dma_start3A_57 = arith.constant 0 : i32
        %dma_start3A_58 = tpu.memref_slice %arg4[%add3A_44, %dma_start3A_56, %dma_start3A_57] : memref<1600x128x64xf32, #tpu.memory_space<hbm>> -> memref<1x128x64xf32, #tpu.memory_space<hbm>>
        %dma_start3A_59 = tpu.memref_squeeze %dma_start3A_58 : memref<1x128x64xf32, #tpu.memory_space<hbm>> -> memref<128x64xf32, #tpu.memory_space<hbm>>
        tpu.enqueue_dma source(%arg7 : memref<128x64xf32, #tpu.memory_space<vmem>>) target(%dma_start3A_59 : memref<128x64xf32, #tpu.memory_space<hbm>>) target_semaphore(%run_scoped3A : memref<!tpu.dma_semaphore, #tpu.memory_space<semaphore_mem>>)
        %dma_wait3A_60 = arith.constant 0 : i32
        %dma_wait3A_61 = arith.constant 0 : i32
        %dma_wait3A_62 = tpu.memref_slice %arg4[%add3A_44, %dma_wait3A_60, %dma_wait3A_61] : memref<1600x128x64xf32, #tpu.memory_space<hbm>> -> memref<1x128x64xf32, #tpu.memory_space<hbm>>
        %dma_wait3A_63 = tpu.memref_squeeze %dma_wait3A_62 : memref<1x128x64xf32, #tpu.memory_space<hbm>> -> memref<128x64xf32, #tpu.memory_space<hbm>>
        %dma_wait3A_64 = arith.constant 0 : i32
        %dma_wait3A_65 = arith.constant 0 : i32
        %dma_wait3A_66 = tpu.memref_slice %arg4[%add3A_44, %dma_wait3A_64, %dma_wait3A_65] : memref<1600x128x64xf32, #tpu.memory_space<hbm>> -> memref<1x128x64xf32, #tpu.memory_space<hbm>>
        %dma_wait3A_67 = tpu.memref_squeeze %dma_wait3A_66 : memref<1x128x64xf32, #tpu.memory_space<hbm>> -> memref<128x64xf32, #tpu.memory_space<hbm>>
        tpu.wait_dma2 semaphore(%run_scoped3A : memref<!tpu.dma_semaphore, #tpu.memory_space<semaphore_mem>>) src(%arg7 : memref<128x64xf32, #tpu.memory_space<vmem>>) dst(%dma_wait3A_67 : memref<128x64xf32, #tpu.memory_space<hbm>>)
        tpu.yield
      }) : () -> ()
      %add3A_45 = arith.constant 3 : i32
      %add3A_46 = arith.addi %mul3A_23, %add3A_45 : i32
      %lt3A_47 = arith.constant 50 : i32
      %lt3A_48 = arith.cmpi slt, %add3A_46, %lt3A_47 : i32
      %convert_element_type3A_49 = arith.extui %lt3A_48 : i1 to i32
      %cond3A_50 = arith.constant 0 : i32
      %cond3A_51 = arith.cmpi ne, %convert_element_type3A_49, %cond3A_50 : i32
      scf.if %cond3A_51 {
        %add3A_52 = arith.constant 3 : i32
        %add3A_53 = arith.addi %mul3A_23, %add3A_52 : i32
        %dma_start3A_54 = arith.constant 0 : i32
        %dma_start3A_55 = tpu.memref_slice %arg5[%add3A_53, %dma_start3A_54] : memref<50x128xi32, #tpu.memory_space<vmem>> -> memref<1x128xi32, #tpu.memory_space<vmem>>
        %dma_start3A_56 = tpu.memref_squeeze %dma_start3A_55 : memref<1x128xi32, #tpu.memory_space<vmem>> -> memref<128xi32, #tpu.memory_space<vmem>>
        %dma_start3A_57 = arith.constant 0 : i32
        %dma_start3A_58 = arith.constant 0 : i32
        %dma_start3A_59 = tpu.memref_slice %arg2[%dma_start3A_57, %dma_start3A_58] : memref<1007616x64xf32, #tpu.memory_space<hbm>> -> memref<1007616x64xf32, #tpu.memory_space<hbm>>
        tpu.enqueue_indirect_dma source(%dma_start3A_59 : memref<1007616x64xf32, #tpu.memory_space<hbm>>) target(%arg7 : memref<128x64xf32, #tpu.memory_space<vmem>>) offsets(%dma_start3A_56 : memref<128xi32, #tpu.memory_space<vmem>>) semaphore(%arg9 : memref<!tpu.dma_semaphore, #tpu.memory_space<semaphore_mem>>)
      } else {
      }
    }
    %scan3A_20 = arith.constant 25 : i32
    return
  }
}

#map = affine_map<(d0, d1) -> (0, 0)>
#map1 = affine_map<(d0, d1) -> (0, 0, 0)>
module attributes {stable_mosaic.version = 14 : i64} {
  func.func @lookup(%arg0: i32, %arg1: i32, %arg2: memref<1007616x64xf32, #tpu.memory_space<hbm>>, %arg3: memref<1600x128xi32, #tpu.memory_space<hbm>>, %arg4: memref<1600x128x64xf32, #tpu.memory_space<hbm>>, %arg5: memref<50x128xi32, #tpu.memory_space<vmem>>, %arg6: memref<128x64xf32, #tpu.memory_space<vmem>>, %arg7: memref<128x64xf32, #tpu.memory_space<vmem>>, %arg8: memref<!tpu.dma_semaphore, #tpu.memory_space<semaphore_mem>>, %arg9: memref<!tpu.dma_semaphore, #tpu.memory_space<semaphore_mem>>) attributes {dimension_semantics = [#tpu.dimension_semantics<core_parallel>, #tpu.dimension_semantics<subcore_parallel>], iteration_bounds = array<i64: 2, 16>, scalar_prefetch = 0 : i64, scratch_operands = 5 : i64, tpu.core_type = #tpu.core_type<sc_vector_subcore>, window_params = [{transform_indices = #map}, {transform_indices = #map}, {transform_indices = #map1}]} {
    %mul3A = arith.constant 2 : i32
    %mul3A_0 = arith.muli %arg1, %mul3A : i32
    %add3A = arith.addi %mul3A_0, %arg0 : i32
    %mul3A_1 = arith.constant 50 : i32
    %mul3A_2 = arith.muli %add3A, %mul3A_1 : i32
    "tpu.region"() ({
      %run_scoped3A = tpu.sem_alloc : memref<!tpu.dma_semaphore, #tpu.memory_space<semaphore_mem>>
      %dma_start3A_21 = arith.constant 0 : i32
      %dma_start3A_22 = tpu.memref_slice %arg3[%mul3A_2, %dma_start3A_21] : memref<1600x128xi32, #tpu.memory_space<hbm>> -> memref<50x128xi32, #tpu.memory_space<hbm>>
      %dma_start3A_23 = arith.constant 0 : i32
      %dma_start3A_24 = tpu.memref_slice %arg3[%mul3A_2, %dma_start3A_23] : memref<1600x128xi32, #tpu.memory_space<hbm>> -> memref<50x128xi32, #tpu.memory_space<hbm>>
      tpu.enqueue_dma source(%dma_start3A_24 : memref<50x128xi32, #tpu.memory_space<hbm>>) target(%arg5 : memref<50x128xi32, #tpu.memory_space<vmem>>) target_semaphore(%run_scoped3A : memref<!tpu.dma_semaphore, #tpu.memory_space<semaphore_mem>>)
      %dma_wait3A = arith.constant 0 : i32
      %dma_wait3A_25 = tpu.memref_slice %arg3[%mul3A_2, %dma_wait3A] : memref<1600x128xi32, #tpu.memory_space<hbm>> -> memref<50x128xi32, #tpu.memory_space<hbm>>
      %dma_wait3A_26 = arith.constant 0 : i32
      %dma_wait3A_27 = tpu.memref_slice %arg3[%mul3A_2, %dma_wait3A_26] : memref<1600x128xi32, #tpu.memory_space<hbm>> -> memref<50x128xi32, #tpu.memory_space<hbm>>
      tpu.wait_dma2 semaphore(%run_scoped3A : memref<!tpu.dma_semaphore, #tpu.memory_space<semaphore_mem>>) src(%dma_wait3A_27 : memref<50x128xi32, #tpu.memory_space<hbm>>) dst(%arg5 : memref<50x128xi32, #tpu.memory_space<vmem>>)
      tpu.yield
    }) : () -> ()
    %dma_start3A = arith.constant 0 : i32
    %dma_start3A_3 = arith.constant 0 : i32
    %dma_start3A_4 = tpu.memref_slice %arg5[%dma_start3A, %dma_start3A_3] : memref<50x128xi32, #tpu.memory_space<vmem>> -> memref<1x128xi32, #tpu.memory_space<vmem>>
    %dma_start3A_5 = tpu.memref_squeeze %dma_start3A_4 : memref<1x128xi32, #tpu.memory_space<vmem>> -> memref<128xi32, #tpu.memory_space<vmem>>
    %dma_start3A_6 = arith.constant 0 : i32
    %dma_start3A_7 = arith.constant 0 : i32
    %dma_start3A_8 = tpu.memref_slice %arg2[%dma_start3A_6, %dma_start3A_7] : memref<1007616x64xf32, #tpu.memory_space<hbm>> -> memref<1007616x64xf32, #tpu.memory_space<hbm>>
    tpu.enqueue_indirect_dma source(%dma_start3A_8 : memref<1007616x64xf32, #tpu.memory_space<hbm>>) target(%arg6 : memref<128x64xf32, #tpu.memory_space<vmem>>) offsets(%dma_start3A_5 : memref<128xi32, #tpu.memory_space<vmem>>) semaphore(%arg8 : memref<!tpu.dma_semaphore, #tpu.memory_space<semaphore_mem>>)
    %dma_start3A_9 = arith.constant 1 : i32
    %dma_start3A_10 = arith.constant 0 : i32
    %dma_start3A_11 = tpu.memref_slice %arg5[%dma_start3A_9, %dma_start3A_10] : memref<50x128xi32, #tpu.memory_space<vmem>> -> memref<1x128xi32, #tpu.memory_space<vmem>>
    %dma_start3A_12 = tpu.memref_squeeze %dma_start3A_11 : memref<1x128xi32, #tpu.memory_space<vmem>> -> memref<128xi32, #tpu.memory_space<vmem>>
    %dma_start3A_13 = arith.constant 0 : i32
    %dma_start3A_14 = arith.constant 0 : i32
    %dma_start3A_15 = tpu.memref_slice %arg2[%dma_start3A_13, %dma_start3A_14] : memref<1007616x64xf32, #tpu.memory_space<hbm>> -> memref<1007616x64xf32, #tpu.memory_space<hbm>>
    tpu.enqueue_indirect_dma source(%dma_start3A_15 : memref<1007616x64xf32, #tpu.memory_space<hbm>>) target(%arg7 : memref<128x64xf32, #tpu.memory_space<vmem>>) offsets(%dma_start3A_12 : memref<128xi32, #tpu.memory_space<vmem>>) semaphore(%arg9 : memref<!tpu.dma_semaphore, #tpu.memory_space<semaphore_mem>>)
    %scan3A = arith.constant 0 : i32
    %scan3A_16 = arith.constant 0 : i32
    %scan3A_17 = arith.constant 25 : i32
    %scan3A_18 = arith.addi %scan3A_16, %scan3A_17 : i32
    %scan3A_19 = arith.constant 1 : i32
    scf.for %scan3A_21 = %scan3A_16 to %scan3A_18 step %scan3A_19  : i32 {
      %mul3A_22 = arith.constant 2 : i32
      %mul3A_23 = arith.muli %mul3A_22, %scan3A_21 : i32
      %dma_wait3A = arith.constant 0 : i32
      %dma_wait3A_24 = tpu.memref_slice %arg5[%mul3A_23, %dma_wait3A] : memref<50x128xi32, #tpu.memory_space<vmem>> -> memref<1x128xi32, #tpu.memory_space<vmem>>
      %dma_wait3A_25 = tpu.memref_squeeze %dma_wait3A_24 : memref<1x128xi32, #tpu.memory_space<vmem>> -> memref<128xi32, #tpu.memory_space<vmem>>
      %dma_wait3A_26 = arith.constant 0 : i32
      %dma_wait3A_27 = arith.constant 0 : i32
      %dma_wait3A_28 = tpu.memref_slice %arg2[%dma_wait3A_26, %dma_wait3A_27] : memref<1007616x64xf32, #tpu.memory_space<hbm>> -> memref<1007616x64xf32, #tpu.memory_space<hbm>>
      tpu.wait_indirect_dma semaphore(%arg8 : memref<!tpu.dma_semaphore, #tpu.memory_space<semaphore_mem>>) src(%dma_wait3A_28 : memref<1007616x64xf32, #tpu.memory_space<hbm>>) dst(%arg6 : memref<128x64xf32, #tpu.memory_space<vmem>>)
      %add3A_29 = arith.addi %mul3A_2, %mul3A_23 : i32
      "tpu.region"() ({
        %run_scoped3A = tpu.sem_alloc : memref<!tpu.dma_semaphore, #tpu.memory_space<semaphore_mem>>
        %dma_start3A_52 = arith.constant 0 : i32
        %dma_start3A_53 = arith.constant 0 : i32
        %dma_start3A_54 = tpu.memref_slice %arg4[%add3A_29, %dma_start3A_52, %dma_start3A_53] : memref<1600x128x64xf32, #tpu.memory_space<hbm>> -> memref<1x128x64xf32, #tpu.memory_space<hbm>>
        %dma_start3A_55 = tpu.memref_squeeze %dma_start3A_54 : memref<1x128x64xf32, #tpu.memory_space<hbm>> -> memref<128x64xf32, #tpu.memory_space<hbm>>
        %dma_start3A_56 = arith.constant 0 : i32
        %dma_start3A_57 = arith.constant 0 : i32
        %dma_start3A_58 = tpu.memref_slice %arg4[%add3A_29, %dma_start3A_56, %dma_start3A_57] : memref<1600x128x64xf32, #tpu.memory_space<hbm>> -> memref<1x128x64xf32, #tpu.memory_space<hbm>>
        %dma_start3A_59 = tpu.memref_squeeze %dma_start3A_58 : memref<1x128x64xf32, #tpu.memory_space<hbm>> -> memref<128x64xf32, #tpu.memory_space<hbm>>
        tpu.enqueue_dma source(%arg6 : memref<128x64xf32, #tpu.memory_space<vmem>>) target(%dma_start3A_59 : memref<128x64xf32, #tpu.memory_space<hbm>>) target_semaphore(%run_scoped3A : memref<!tpu.dma_semaphore, #tpu.memory_space<semaphore_mem>>)
        %dma_wait3A_60 = arith.constant 0 : i32
        %dma_wait3A_61 = arith.constant 0 : i32
        %dma_wait3A_62 = tpu.memref_slice %arg4[%add3A_29, %dma_wait3A_60, %dma_wait3A_61] : memref<1600x128x64xf32, #tpu.memory_space<hbm>> -> memref<1x128x64xf32, #tpu.memory_space<hbm>>
        %dma_wait3A_63 = tpu.memref_squeeze %dma_wait3A_62 : memref<1x128x64xf32, #tpu.memory_space<hbm>> -> memref<128x64xf32, #tpu.memory_space<hbm>>
        %dma_wait3A_64 = arith.constant 0 : i32
        %dma_wait3A_65 = arith.constant 0 : i32
        %dma_wait3A_66 = tpu.memref_slice %arg4[%add3A_29, %dma_wait3A_64, %dma_wait3A_65] : memref<1600x128x64xf32, #tpu.memory_space<hbm>> -> memref<1x128x64xf32, #tpu.memory_space<hbm>>
        %dma_wait3A_67 = tpu.memref_squeeze %dma_wait3A_66 : memref<1x128x64xf32, #tpu.memory_space<hbm>> -> memref<128x64xf32, #tpu.memory_space<hbm>>
        tpu.wait_dma2 semaphore(%run_scoped3A : memref<!tpu.dma_semaphore, #tpu.memory_space<semaphore_mem>>) src(%arg6 : memref<128x64xf32, #tpu.memory_space<vmem>>) dst(%dma_wait3A_67 : memref<128x64xf32, #tpu.memory_space<hbm>>)
        tpu.yield
      }) : () -> ()
      %add3A_30 = arith.constant 2 : i32
      %add3A_31 = arith.addi %mul3A_23, %add3A_30 : i32
      %lt3A = arith.constant 50 : i32
      %lt3A_32 = arith.cmpi slt, %add3A_31, %lt3A : i32
      %convert_element_type3A = arith.extui %lt3A_32 : i1 to i32
      %cond3A = arith.constant 0 : i32
      %cond3A_33 = arith.cmpi ne, %convert_element_type3A, %cond3A : i32
      scf.if %cond3A_33 {
        %add3A_52 = arith.constant 2 : i32
        %add3A_53 = arith.addi %mul3A_23, %add3A_52 : i32
        %dma_start3A_54 = arith.constant 0 : i32
        %dma_start3A_55 = tpu.memref_slice %arg5[%add3A_53, %dma_start3A_54] : memref<50x128xi32, #tpu.memory_space<vmem>> -> memref<1x128xi32, #tpu.memory_space<vmem>>
        %dma_start3A_56 = tpu.memref_squeeze %dma_start3A_55 : memref<1x128xi32, #tpu.memory_space<vmem>> -> memref<128xi32, #tpu.memory_space<vmem>>
        %dma_start3A_57 = arith.constant 0 : i32
        %dma_start3A_58 = arith.constant 0 : i32
        %dma_start3A_59 = tpu.memref_slice %arg2[%dma_start3A_57, %dma_start3A_58] : memref<1007616x64xf32, #tpu.memory_space<hbm>> -> memref<1007616x64xf32, #tpu.memory_space<hbm>>
        tpu.enqueue_indirect_dma source(%dma_start3A_59 : memref<1007616x64xf32, #tpu.memory_space<hbm>>) target(%arg6 : memref<128x64xf32, #tpu.memory_space<vmem>>) offsets(%dma_start3A_56 : memref<128xi32, #tpu.memory_space<vmem>>) semaphore(%arg8 : memref<!tpu.dma_semaphore, #tpu.memory_space<semaphore_mem>>)
      } else {
      }
      %add3A_34 = arith.constant 1 : i32
      %add3A_35 = arith.addi %mul3A_23, %add3A_34 : i32
      %dma_wait3A_36 = arith.constant 0 : i32
      %dma_wait3A_37 = tpu.memref_slice %arg5[%add3A_35, %dma_wait3A_36] : memref<50x128xi32, #tpu.memory_space<vmem>> -> memref<1x128xi32, #tpu.memory_space<vmem>>
      %dma_wait3A_38 = tpu.memref_squeeze %dma_wait3A_37 : memref<1x128xi32, #tpu.memory_space<vmem>> -> memref<128xi32, #tpu.memory_space<vmem>>
      %dma_wait3A_39 = arith.constant 0 : i32
      %dma_wait3A_40 = arith.constant 0 : i32
      %dma_wait3A_41 = tpu.memref_slice %arg2[%dma_wait3A_39, %dma_wait3A_40] : memref<1007616x64xf32, #tpu.memory_space<hbm>> -> memref<1007616x64xf32, #tpu.memory_space<hbm>>
      tpu.wait_indirect_dma semaphore(%arg9 : memref<!tpu.dma_semaphore, #tpu.memory_space<semaphore_mem>>) src(%dma_wait3A_41 : memref<1007616x64xf32, #tpu.memory_space<hbm>>) dst(%arg7 : memref<128x64xf32, #tpu.memory_space<vmem>>)
      %add3A_42 = arith.addi %mul3A_2, %mul3A_23 : i32
      %add3A_43 = arith.constant 1 : i32
      %add3A_44 = arith.addi %add3A_42, %add3A_43 : i32
      "tpu.region"() ({
        %run_scoped3A = tpu.sem_alloc : memref<!tpu.dma_semaphore, #tpu.memory_space<semaphore_mem>>
        %dma_start3A_52 = arith.constant 0 : i32
        %dma_start3A_53 = arith.constant 0 : i32
        %dma_start3A_54 = tpu.memref_slice %arg4[%add3A_44, %dma_start3A_52, %dma_start3A_53] : memref<1600x128x64xf32, #tpu.memory_space<hbm>> -> memref<1x128x64xf32, #tpu.memory_space<hbm>>
        %dma_start3A_55 = tpu.memref_squeeze %dma_start3A_54 : memref<1x128x64xf32, #tpu.memory_space<hbm>> -> memref<128x64xf32, #tpu.memory_space<hbm>>
        %dma_start3A_56 = arith.constant 0 : i32
        %dma_start3A_57 = arith.constant 0 : i32
        %dma_start3A_58 = tpu.memref_slice %arg4[%add3A_44, %dma_start3A_56, %dma_start3A_57] : memref<1600x128x64xf32, #tpu.memory_space<hbm>> -> memref<1x128x64xf32, #tpu.memory_space<hbm>>
        %dma_start3A_59 = tpu.memref_squeeze %dma_start3A_58 : memref<1x128x64xf32, #tpu.memory_space<hbm>> -> memref<128x64xf32, #tpu.memory_space<hbm>>
        tpu.enqueue_dma source(%arg7 : memref<128x64xf32, #tpu.memory_space<vmem>>) target(%dma_start3A_59 : memref<128x64xf32, #tpu.memory_space<hbm>>) target_semaphore(%run_scoped3A : memref<!tpu.dma_semaphore, #tpu.memory_space<semaphore_mem>>)
        %dma_wait3A_60 = arith.constant 0 : i32
        %dma_wait3A_61 = arith.constant 0 : i32
        %dma_wait3A_62 = tpu.memref_slice %arg4[%add3A_44, %dma_wait3A_60, %dma_wait3A_61] : memref<1600x128x64xf32, #tpu.memory_space<hbm>> -> memref<1x128x64xf32, #tpu.memory_space<hbm>>
        %dma_wait3A_63 = tpu.memref_squeeze %dma_wait3A_62 : memref<1x128x64xf32, #tpu.memory_space<hbm>> -> memref<128x64xf32, #tpu.memory_space<hbm>>
        %dma_wait3A_64 = arith.constant 0 : i32
        %dma_wait3A_65 = arith.constant 0 : i32
        %dma_wait3A_66 = tpu.memref_slice %arg4[%add3A_44, %dma_wait3A_64, %dma_wait3A_65] : memref<1600x128x64xf32, #tpu.memory_space<hbm>> -> memref<1x128x64xf32, #tpu.memory_space<hbm>>
        %dma_wait3A_67 = tpu.memref_squeeze %dma_wait3A_66 : memref<1x128x64xf32, #tpu.memory_space<hbm>> -> memref<128x64xf32, #tpu.memory_space<hbm>>
        tpu.wait_dma2 semaphore(%run_scoped3A : memref<!tpu.dma_semaphore, #tpu.memory_space<semaphore_mem>>) src(%arg7 : memref<128x64xf32, #tpu.memory_space<vmem>>) dst(%dma_wait3A_67 : memref<128x64xf32, #tpu.memory_space<hbm>>)
        tpu.yield
      }) : () -> ()
      %add3A_45 = arith.constant 3 : i32
      %add3A_46 = arith.addi %mul3A_23, %add3A_45 : i32
      %lt3A_47 = arith.constant 50 : i32
      %lt3A_48 = arith.cmpi slt, %add3A_46, %lt3A_47 : i32
      %convert_element_type3A_49 = arith.extui %lt3A_48 : i1 to i32
      %cond3A_50 = arith.constant 0 : i32
      %cond3A_51 = arith.cmpi ne, %convert_element_type3A_49, %cond3A_50 : i32
      scf.if %cond3A_51 {
        %add3A_52 = arith.constant 3 : i32
        %add3A_53 = arith.addi %mul3A_23, %add3A_52 : i32
        %dma_start3A_54 = arith.constant 0 : i32
        %dma_start3A_55 = tpu.memref_slice %arg5[%add3A_53, %dma_start3A_54] : memref<50x128xi32, #tpu.memory_space<vmem>> -> memref<1x128xi32, #tpu.memory_space<vmem>>
        %dma_start3A_56 = tpu.memref_squeeze %dma_start3A_55 : memref<1x128xi32, #tpu.memory_space<vmem>> -> memref<128xi32, #tpu.memory_space<vmem>>
        %dma_start3A_57 = arith.constant 0 : i32
        %dma_start3A_58 = arith.constant 0 : i32
        %dma_start3A_59 = tpu.memref_slice %arg2[%dma_start3A_57, %dma_start3A_58] : memref<1007616x64xf32, #tpu.memory_space<hbm>> -> memref<1007616x64xf32, #tpu.memory_space<hbm>>
        tpu.enqueue_indirect_dma source(%dma_start3A_59 : memref<1007616x64xf32, #tpu.memory_space<hbm>>) target(%arg7 : memref<128x64xf32, #tpu.memory_space<vmem>>) offsets(%dma_start3A_56 : memref<128xi32, #tpu.memory_space<vmem>>) semaphore(%arg9 : memref<!tpu.dma_semaphore, #tpu.memory_space<semaphore_mem>>)
      } else {
      }
    }
    %scan3A_20 = arith.constant 25 : i32
    return
  }
}

module attributes {stable_mosaic.version = 14 : i64} {
  func.func @_prescale_body(%arg0: i32, %arg1: memref<64x4096xf32, #tpu.memory_space<vmem>>, %arg2: memref<64x4096xf32, #tpu.memory_space<vmem>>, %arg3: memref<4096x128xf32, #tpu.memory_space<vmem>>) attributes {dimension_semantics = [#tpu.dimension_semantics<arbitrary>], iteration_bounds = array<i64: 123>, scalar_prefetch = 0 : i64, scratch_operands = 0 : i64, tpu.core_type = #tpu.core_type<tc>, window_params = [{transform_indices = @transform_0, window_bounds = array<i64: 64, 4096>}, {transform_indices = @transform_1, window_bounds = array<i64: 64, 4096>}, {transform_indices = @transform_2, window_bounds = array<i64: 4096, 128>}]} {
    %get3A = arith.constant 0 : index
    %get3A_0 = arith.constant 0 : index
    %get3A_1 = vector.load %arg1[%get3A, %get3A_0] : memref<64x4096xf32, #tpu.memory_space<vmem>>, vector<64x4096xf32>
    %transpose3A = tpu.transpose %get3A_1, [1, 0] : vector<64x4096xf32> -> vector<4096x64xf32>
    %get3A_2 = arith.constant 0 : index
    %get3A_3 = arith.constant 0 : index
    %get3A_4 = vector.load %arg2[%get3A_2, %get3A_3] : memref<64x4096xf32, #tpu.memory_space<vmem>>, vector<64x4096xf32>
    %transpose3A_5 = tpu.transpose %get3A_4, [1, 0] : vector<64x4096xf32> -> vector<4096x64xf32>
    %concatenate3A = tpu.concatenate %transpose3A, %transpose3A_5 in 1 : vector<4096x64xf32>, vector<4096x64xf32> -> vector<4096x128xf32>
    %mul3A = arith.constant 8.000000e+00 : f32
    %mul3A_6 = vector.broadcast %mul3A : f32 to vector<4096x128xf32>
    %mul3A_7 = arith.mulf %concatenate3A, %mul3A_6 : vector<4096x128xf32>
    %swap3A = arith.constant 0 : index
    %swap3A_8 = arith.constant 0 : index
    %swap3A_9 = vector.load %arg3[%swap3A, %swap3A_8] : memref<4096x128xf32, #tpu.memory_space<vmem>>, vector<4096x128xf32>
    tpu.vector_store %arg3[%swap3A, %swap3A_8], %mul3A_7 {strides = array<i32>} : memref<4096x128xf32, #tpu.memory_space<vmem>>, vector<4096x128xf32>,
    return
  }
  func.func @transform_0(%arg0: i32) -> (i32, i32) {
    %mul3A = arith.constant 2 : i32
    %mul3A_0 = arith.muli %mul3A, %arg0 : i32
    %min3A = arith.constant 244 : i32
    %min3A_1 = arith.minsi %mul3A_0, %min3A : i32
    %c0_i32 = arith.constant 0 : i32
    %c0_i32_2 = arith.constant 0 : i32
    return %c0_i32, %min3A_1 : i32, i32
  }
  func.func @transform_1(%arg0: i32) -> (i32, i32) {
    %mul3A = arith.constant 2 : i32
    %mul3A_0 = arith.muli %mul3A, %arg0 : i32
    %add3A = arith.constant 1 : i32
    %add3A_1 = arith.addi %mul3A_0, %add3A : i32
    %min3A = arith.constant 244 : i32
    %min3A_2 = arith.minsi %add3A_1, %min3A : i32
    %c0_i32 = arith.constant 0 : i32
    %c0_i32_3 = arith.constant 0 : i32
    return %c0_i32, %min3A_2 : i32, i32
  }
  func.func @transform_2(%arg0: i32) -> (i32, i32) {
    %c0_i32 = arith.constant 0 : i32
    %c0_i32_0 = arith.constant 0 : i32
    return %arg0, %c0_i32 : i32, i32
  }
}

module attributes {stable_mosaic.version = 14 : i64} {
  func.func @_out_body(%arg0: i32, %arg1: memref<128x3200xf32, #tpu.memory_space<vmem>>, %arg2: memref<3200x128xf32, #tpu.memory_space<vmem>>) attributes {dimension_semantics = [#tpu.dimension_semantics<arbitrary>], iteration_bounds = array<i64: 32>, scalar_prefetch = 0 : i64, scratch_operands = 0 : i64, tpu.core_type = #tpu.core_type<tc>, window_params = [{transform_indices = @transform_0, window_bounds = array<i64: 128, 3200>}, {transform_indices = @transform_1, window_bounds = array<i64: 3200, 128>}]} {
    %get3A = arith.constant 0 : index
    %get3A_0 = arith.constant 0 : index
    %get3A_1 = vector.load %arg1[%get3A, %get3A_0] : memref<128x3200xf32, #tpu.memory_space<vmem>>, vector<128x3200xf32>
    %transpose3A = tpu.transpose %get3A_1, [1, 0] : vector<128x3200xf32> -> vector<3200x128xf32>
    %swap3A = arith.constant 0 : index
    %swap3A_2 = arith.constant 0 : index
    %swap3A_3 = vector.load %arg2[%swap3A, %swap3A_2] : memref<3200x128xf32, #tpu.memory_space<vmem>>, vector<3200x128xf32>
    tpu.vector_store %arg2[%swap3A, %swap3A_2], %transpose3A {strides = array<i32>} : memref<3200x128xf32, #tpu.memory_space<vmem>>, vector<3200x128xf32>,
    return
  }
  func.func @transform_0(%arg0: i32) -> (i32, i32) {
    %c0_i32 = arith.constant 0 : i32
    %c0_i32_0 = arith.constant 0 : i32
    return %arg0, %c0_i32 : i32, i32
  }
  func.func @transform_1(%arg0: i32) -> (i32, i32) {
    %add3A = arith.constant 0 : i32
    %add3A_0 = arith.addi %add3A, %arg0 : i32
    %c0_i32 = arith.constant 0 : i32
    %c0_i32_1 = arith.constant 0 : i32
    return %c0_i32, %add3A_0 : i32, i32
  }
}

module attributes {stable_mosaic.version = 14 : i64} {
  func.func @_out_body_acc(%arg0: i32, %arg1: memref<3200x16384xf32, #tpu.memory_space<any>>, %arg2: memref<128x3200xf32, #tpu.memory_space<vmem>>, %arg3: memref<3200x128xf32, #tpu.memory_space<vmem>>) attributes {dimension_semantics = [#tpu.dimension_semantics<arbitrary>], iteration_bounds = array<i64: 32>, scalar_prefetch = 0 : i64, scratch_operands = 0 : i64, tpu.core_type = #tpu.core_type<tc>, window_params = [{}, {transform_indices = @transform_1, window_bounds = array<i64: 128, 3200>}, {transform_indices = @transform_2, window_bounds = array<i64: 3200, 128>}]} {
    %get3A = arith.constant 0 : index
    %get3A_0 = arith.constant 0 : index
    %get3A_1 = vector.load %arg2[%get3A, %get3A_0] : memref<128x3200xf32, #tpu.memory_space<vmem>>, vector<128x3200xf32>
    %transpose3A = tpu.transpose %get3A_1, [1, 0] : vector<128x3200xf32> -> vector<3200x128xf32>
    %swap3A = arith.constant 0 : index
    %swap3A_2 = arith.constant 0 : index
    %swap3A_3 = vector.load %arg3[%swap3A, %swap3A_2] : memref<3200x128xf32, #tpu.memory_space<vmem>>, vector<3200x128xf32>
    tpu.vector_store %arg3[%swap3A, %swap3A_2], %transpose3A {strides = array<i32>} : memref<3200x128xf32, #tpu.memory_space<vmem>>, vector<3200x128xf32>,
    return
  }
  func.func @transform_1(%arg0: i32) -> (i32, i32) {
    %c0_i32 = arith.constant 0 : i32
    %c0_i32_0 = arith.constant 0 : i32
    return %arg0, %c0_i32 : i32, i32
  }
  func.func @transform_2(%arg0: i32) -> (i32, i32) {
    %add3A = arith.constant 32 : i32
    %add3A_0 = arith.addi %add3A, %arg0 : i32
    %c0_i32 = arith.constant 0 : i32
    %c0_i32_1 = arith.constant 0 : i32
    return %c0_i32, %add3A_0 : i32, i32
  }
}

module attributes {stable_mosaic.version = 14 : i64} {
  func.func @_out_body_acc(%arg0: i32, %arg1: memref<3200x16384xf32, #tpu.memory_space<any>>, %arg2: memref<128x3200xf32, #tpu.memory_space<vmem>>, %arg3: memref<3200x128xf32, #tpu.memory_space<vmem>>) attributes {dimension_semantics = [#tpu.dimension_semantics<arbitrary>], iteration_bounds = array<i64: 32>, scalar_prefetch = 0 : i64, scratch_operands = 0 : i64, tpu.core_type = #tpu.core_type<tc>, window_params = [{}, {transform_indices = @transform_1, window_bounds = array<i64: 128, 3200>}, {transform_indices = @transform_2, window_bounds = array<i64: 3200, 128>}]} {
    %get3A = arith.constant 0 : index
    %get3A_0 = arith.constant 0 : index
    %get3A_1 = vector.load %arg2[%get3A, %get3A_0] : memref<128x3200xf32, #tpu.memory_space<vmem>>, vector<128x3200xf32>
    %transpose3A = tpu.transpose %get3A_1, [1, 0] : vector<128x3200xf32> -> vector<3200x128xf32>
    %swap3A = arith.constant 0 : index
    %swap3A_2 = arith.constant 0 : index
    %swap3A_3 = vector.load %arg3[%swap3A, %swap3A_2] : memref<3200x128xf32, #tpu.memory_space<vmem>>, vector<3200x128xf32>
    tpu.vector_store %arg3[%swap3A, %swap3A_2], %transpose3A {strides = array<i32>} : memref<3200x128xf32, #tpu.memory_space<vmem>>, vector<3200x128xf32>,
    return
  }
  func.func @transform_1(%arg0: i32) -> (i32, i32) {
    %c0_i32 = arith.constant 0 : i32
    %c0_i32_0 = arith.constant 0 : i32
    return %arg0, %c0_i32 : i32, i32
  }
  func.func @transform_2(%arg0: i32) -> (i32, i32) {
    %add3A = arith.constant 64 : i32
    %add3A_0 = arith.addi %add3A, %arg0 : i32
    %c0_i32 = arith.constant 0 : i32
    %c0_i32_1 = arith.constant 0 : i32
    return %c0_i32, %add3A_0 : i32, i32
  }
}

module attributes {stable_mosaic.version = 14 : i64} {
  func.func @_out_body_acc(%arg0: i32, %arg1: memref<3200x16384xf32, #tpu.memory_space<any>>, %arg2: memref<128x3200xf32, #tpu.memory_space<vmem>>, %arg3: memref<3200x128xf32, #tpu.memory_space<vmem>>) attributes {dimension_semantics = [#tpu.dimension_semantics<arbitrary>], iteration_bounds = array<i64: 32>, scalar_prefetch = 0 : i64, scratch_operands = 0 : i64, tpu.core_type = #tpu.core_type<tc>, window_params = [{}, {transform_indices = @transform_1, window_bounds = array<i64: 128, 3200>}, {transform_indices = @transform_2, window_bounds = array<i64: 3200, 128>}]} {
    %get3A = arith.constant 0 : index
    %get3A_0 = arith.constant 0 : index
    %get3A_1 = vector.load %arg2[%get3A, %get3A_0] : memref<128x3200xf32, #tpu.memory_space<vmem>>, vector<128x3200xf32>
    %transpose3A = tpu.transpose %get3A_1, [1, 0] : vector<128x3200xf32> -> vector<3200x128xf32>
    %swap3A = arith.constant 0 : index
    %swap3A_2 = arith.constant 0 : index
    %swap3A_3 = vector.load %arg3[%swap3A, %swap3A_2] : memref<3200x128xf32, #tpu.memory_space<vmem>>, vector<3200x128xf32>
    tpu.vector_store %arg3[%swap3A, %swap3A_2], %transpose3A {strides = array<i32>} : memref<3200x128xf32, #tpu.memory_space<vmem>>, vector<3200x128xf32>,
    return
  }
  func.func @transform_1(%arg0: i32) -> (i32, i32) {
    %c0_i32 = arith.constant 0 : i32
    %c0_i32_0 = arith.constant 0 : i32
    return %arg0, %c0_i32 : i32, i32
  }
  func.func @transform_2(%arg0: i32) -> (i32, i32) {
    %add3A = arith.constant 96 : i32
    %add3A_0 = arith.addi %add3A, %arg0 : i32
    %c0_i32 = arith.constant 0 : i32
    %c0_i32_1 = arith.constant 0 : i32
    return %c0_i32, %add3A_0 : i32, i32
  }
}

</mosaic_0001>

<sc_bundles>
// kernel: kernel.11.cloned.1.call-start
scs
__scs_entry_jumppad:
0x0: {  	(pc) =	sbr.rel $0x88, $3  }
0x1: {  	(tag) =	ssettag $0x0;
	lr =	simm.s32 $0x1  }
0x2: {  	[smem:$0x3F9F] =	sst lr;
	_ =	strace $0xD0000000  }
0x3: {  	_ = 	snop  }
0x4: {  	_ = 	snop  }
0x5: {  	_ = 	snop  }
0x6: {  	_ = 	snop  }
0x7: {  	_ = 	snop  }
__scs_overlays_trampoline_lowered:
0x8: {  	[smem:$0x3FAE] =	sst s0  }
0x9: {  	[smem:$0x3FAF] =	sst s1  }
0xa: {  	[smem:$0x3FB0] =	sst s2  }
0xb: {  	[smem:$0x3FB1] =	sst s3  }
0xc: {  	[smem:$0x3FB2] =	sst s4  }
0xd: {  	[smem:$0x3FB3] =	sst s5  }
0xe: {  	[smem:$0x3FB4] =	sst s6  }
0xf: {  	[smem:$0x3FB5] =	sst s7  }
0x10: {  	[smem:$0x3FB6] =	sst s8  }
0x11: {  	[smem:$0x3FB7] =	sst s9;
	s0 =	simm.s32 @!p0 $0x0  }
0x12: {  	s1 =	sld [smem:$0x3F9D];
	s0 =	simm.s32 @p0 $0x1  }
0x13: {  	[smem:$0x3FB8] =	sst s0;
	s0 =	simm.s32 @!p1 $0x0  }
0x14: {  	s2 =	sld [smem:$0x3F9C];
	s0 =	simm.s32 @p1 $0x1  }
0x15: {  	[smem:$0x3FB9] =	sst s0;
	s0 =	simm.s32 @!p2 $0x0  }
0x16: {  	s3 =	sld [smem:$0x3FDB];
	s0 =	simm.s32 @p2 $0x1  }
0x17: {  	s4 =	simm.s32 $0x1BF5;
	[smem:$0x3FBB] =	sst s0  }
0x18: {  	s0 =	sld [smem:$0x3F9E];
	_ =	swait.ge [sflag:s4], $0x0  }
0x19: {  	s7 =	sld [smem:$0x3F9F]  }
0x1a: {  	s8 =	sadd.s32 $0xFFFFE003, lr  }
0x1b: {  	s9 =	sadd.s32 $0xFFFFFEF7, lr;
	s5 =	simm.s32 $0xFFFFFFFF;
	p2 =	slt.u32 s8, $0xFFFFF086  }
0x1c: {  	p1 =	slt.u32 s9, $0xF7A;
	s5 =	simm.s32 @!p2 $0x0  }
0x1d: {  	s5 =	simm.s32 @p1 $0x1;
	p0 =	seq.s32 s7, s2  }
0x1e: {  	s7 =	smul.u32 @!p0 $0xF7A, s2;
	p2 =	seq.s32 @!p0 s5, $0x0  }
0x1f: {  	s9 =	smul.u32 $0xF7A, s1;
	s8 =	simm.s32 @!p0 $0x1BF5;
	p2 =	por !p2, p0  }
0x20: {  	[sflag:s8] =	ssyncset.s32 @!p0 $0xFFFFF086;
	s6 =	sadd.s32 @!p0 s3, s7;
	s7 =	simm.s32 @!p0 $0x108  }
0x21: {  	s3 =	sadd.s32 s3, s9;
	s6 =	sadd.s32 @!p0 $0x88, s6;
	s7 =	simm.s32 @p2 $0x1082  }
0x22: {  	[simem:s7], [sflag:s8] =	dma.local @!p0 [hbm:s6], $0xF7A  }
0x23: {  	s9 =	sor.u32 $0xD0000000, s2;
	s6 =	simm.s32 $0x108;
	_ =	swait.ge @!p0 [sflag:s8], $0x0  }
0x24: {  	s3 =	sadd.s32 $0x88, s3;
	s6 =	simm.s32 @!p1 $0x1082;
	[sflag:s4] =	ssyncset.s32 $0xFFFFF086  }
0x25: {  	[simem:s6], [sflag:s4] =	dma.local [hbm:s3], $0xF7A  }
0x26: {  	[smem:$0x3F9F] =	sst s1;
	(tag) =	ssettag s2;
	_ =	strace s9  }
0x27: {  	s1 =	sld [smem:$0x3FAF]  }
0x28: {  	s2 =	sld [smem:$0x3FB0]  }
0x29: {  	s4 =	sld [smem:$0x3FB2]  }
0x2a: {  	p0 =	seq.s32 s5, $0x0;
	s5 =	sld [smem:$0x3FB3]  }
0x2b: {  	s6 =	sld [smem:$0x3FB4]  }
0x2c: {  	s7 =	sld [smem:$0x3FB5]  }
0x2d: {  	s3 =	simm.s32 $0x108;
	s8 =	sld [smem:$0x3FB6]  }
0x2e: {  	s3 =	simm.s32 @!p0 $0x1082;
	s9 =	sld [smem:$0x3FB7]  }
0x2f: {  	lr =	sadd.s32 s0, s3;
	s0 =	sld [smem:$0x3FAE]  }
0x30: {  	s3 =	sld [smem:$0x3FB1]  }
0x31: {  	[smem:$0x3FBA] =	sst s10  }
0x32: {  	s10 =	sld [smem:$0x3FB8];
	_ =	sdelay $0x3  }
0x33: {  	p0 =	seq.s32 s10, $0x1;
	s10 =	sld [smem:$0x3FBA];
	_ =	sdelay $0x3  }
0x34: {  	[smem:$0x3FBA] =	sst s10  }
0x35: {  	s10 =	sld [smem:$0x3FB9];
	_ =	sdelay $0x3  }
0x36: {  	p1 =	seq.s32 s10, $0x1;
	s10 =	sld [smem:$0x3FBA];
	_ =	sdelay $0x3  }
0x37: {  	[smem:$0x3FBA] =	sst s10  }
0x38: {  	s10 =	sld [smem:$0x3FBB]  }
0x39: {  	_ = 	snop;
	(pc) =	sbr.ind lr, $3  }
0x3a: {  	_ = 	snop  }
0x3b: {  	_ = 	snop  }
0x3c: {  	p2 =	seq.s32 s10, $0x1;
	s10 =	sld [smem:$0x3FBA]  }
0x3d: {  	_ =	shalt  }
0x3e: {  	_ =	shalt  }
0x3f: {  	_ =	shalt  }
0x40: {  	_ =	shalt  }
0x41: {  	_ =	shalt  }
0x42: {  	_ =	shalt  }
0x43: {  	_ =	shalt  }
0x44: {  	_ =	shalt  }
0x45: {  	_ =	shalt  }
0x46: {  	_ =	shalt  }
0x47: {  	_ =	shalt  }
0x48: {  	_ =	shalt  }
0x49: {  	_ =	shalt  }
0x4a: {  	_ =	shalt  }
0x4b: {  	_ =	shalt  }
0x4c: {  	_ =	shalt  }
0x4d: {  	_ =	shalt  }
0x4e: {  	_ =	shalt  }
0x4f: {  	_ =	shalt  }
0x50: {  	_ =	shalt  }
0x51: {  	_ =	shalt  }
0x52: {  	_ =	shalt  }
0x53: {  	_ =	shalt  }
0x54: {  	_ =	shalt  }
0x55: {  	_ =	shalt  }
0x56: {  	_ =	shalt  }
0x57: {  	_ =	shalt  }
0x58: {  	_ =	shalt  }
0x59: {  	_ =	shalt  }
0x5a: {  	_ =	shalt  }
0x5b: {  	_ =	shalt  }
0x5c: {  	_ =	shalt  }
0x5d: {  	_ =	shalt  }
0x5e: {  	_ =	shalt  }
0x5f: {  	_ =	shalt  }
0x60: {  	_ =	shalt  }
0x61: {  	_ =	shalt  }
0x62: {  	_ =	shalt  }
0x63: {  	_ =	shalt  }
0x64: {  	_ =	shalt  }
0x65: {  	_ =	shalt  }
0x66: {  	_ =	shalt  }
0x67: {  	_ =	shalt  }
0x68: {  	_ =	shalt  }
0x69: {  	_ =	shalt  }
0x6a: {  	_ =	shalt  }
0x6b: {  	_ =	shalt  }
0x6c: {  	_ =	shalt  }
0x6d: {  	_ =	shalt  }
0x6e: {  	_ =	shalt  }
0x6f: {  	_ =	shalt  }
0x70: {  	_ =	shalt  }
0x71: {  	_ =	shalt  }
0x72: {  	_ =	shalt  }
0x73: {  	_ =	shalt  }
0x74: {  	_ =	shalt  }
0x75: {  	_ =	shalt  }
0x76: {  	_ =	shalt  }
0x77: {  	_ =	shalt  }
0x78: {  	_ =	shalt  }
0x79: {  	_ =	shalt  }
0x7a: {  	_ =	shalt  }
0x7b: {  	_ =	shalt  }
0x7c: {  	_ =	shalt  }
0x7d: {  	_ =	shalt  }
0x7e: {  	_ =	shalt  }
0x7f: {  	_ =	shalt  }
0x80: {  	_ =	shalt  }
0x81: {  	_ =	shalt  }
0x82: {  	_ =	shalt  }
0x83: {  	_ =	shalt  }
0x84: {  	_ =	shalt  }
0x85: {  	_ =	shalt  }
0x86: {  	_ =	shalt  }
0x87: {  	_ =	shalt  }
.Lfunc_end0:
.L_simem_size_0:
called_computation_lowered:
.L_overlay_start_0:
0x88: {  	s2 =	sld [smem:$0x3FD9]  }
0x89: {  	s3 =	sld [smem:$0x3FFE];
	_ =	sdelay $0x1  }
0x8a: {  	s1 =	srdreg.scid  }
0x8b: {  	s0 =	sand.u32 $0x1, s1  }
0x8c: {  	s17 =	sshll.u32 s0, $0xA;
	s2 =	sadd.s32 s3, s2  }
0x8d: {  	s2 =	sadd.s32 s2, s17  }
0x8e: {  	[smem:$0x3FC6] =	sst s2  }
0x8f: {  	_ = 	snop  }
0x90: {  	s18 =	sld [smem:$0x3FD0];
	(tm) =	ssettm $0x1  }
0x91: {  	s19 =	sld [smem:$0x3FFB];
	_ =	sdelay $0x3  }
0x92: {  	_ =	strace s19  }
0x93: {  	s2 =	sld [smem:$0x3FFC];
	_ =	sdelay $0x3  }
0x94: {  	_ =	strace s2  }
0x95: {  	s2 =	sld [smem:$0x3FFD];
	_ =	sdelay $0x3  }
0x96: {  	_ =	strace s2  }
0x97: {  	_ =	strace $0x8FFFFFFF  }
0x98: {  	s20 =	sld [smem:$0x3FDB];
	_ =	sdelay $0x1  }
0x99: {  	s4 =	simm.s32 $_scs_section_size  }
0x9a: {  	s5 =	simm.s32 $_size__tile_overlayer_lowered;
	s6 =	simm.s32 $_tile_overlayer_lowered  }
0x9b: {  	s7 =	simm.s32 $0x1BFF;
	s21 =	sshll.u32 s6, $0x1;
	s4 =	sadd.s32 s4, s20  }
0x9c: {  	s22 =	simm.s32 $0x0;
	s5 =	sshll.u32 s5, $0x1;
	s6 =	sadd.s32 s21, s4  }
0x9d: {  	[timem:s22], [sflag:s7] =	dma.local [hbm:s6], s5  }
0x9e: {  	_ =	swait.ge [sflag:s7], s5  }
0x9f: {  	s5 =	ssub.s32 $0x0, s5;
	[sflag:s7] =	ssyncset.done $0x0  }
0xa0: {  	[sflag:s7] =	ssyncadd.s32 s5;
	_ =	sdelay $0x1  }
0xa1: {  	s23 =	simm.s32 $0x1B8B  }
0xa2: {  	_ =	swait.ge [sflag:s23], $0x1  }
0xa3: {  	[sflag:s23] =	ssyncset.done $0x0  }
0xa4: {  	[sflag:s23] =	ssyncadd.s32 $0xFFFFFFFF  }
0xa5: {  	s5 =	sld [smem:$0x0]  }
0xa6: {  	s6 =	sand.u32 $0xFFFFFFFE, s1  }
0xa7: {  	p0 =	sne.s32 s1, s6  }
0xa8: {  	s6 =	sshll.u32 @p0 s6, $0xE  }
0xa9: {  	s6 =	sadd.s32 @p0 $0x11B8D, s6;
	s7 =	sshll.u32 @p0 s5, $0x11  }
0xaa: {  	s6 =	sor.u32 @p0 s7, s6  }
0xab: {  	[sflag:s6] =	ssyncadd.remote.s32 @p0 $0x1;
	_ =	sdelay $0x1  }
0xac: {  	s6 =	simm.s32 @p0 $0x1B8D  }
0xad: {  	_ =	swait.eq @p0 [sflag:s6], $0x1  }
0xae: {  	[sflag:s6] =	ssyncadd.s32 @p0 $0xFFFFFFFF  }
0xaf: {  	s7 =	sshll.u32 @!p0 s1, $0xE  }
0xb0: {  	s7 =	sor.u32 @!p0 $0x4000, s7;
	s6 =	simm.s32 @!p0 $0x1B8D  }
0xb1: {  	s5 =	sshll.u32 @!p0 s5, $0x11;
	s7 =	sadd.s32 @!p0 $0x11B8D, s7;
	_ =	swait.eq @!p0 [sflag:s6], $0x1  }
0xb2: {  	s5 =	sor.u32 @!p0 s5, s7;
	[sflag:s6] =	ssyncadd.s32 @!p0 $0xFFFFFFFF  }
0xb3: {  	s25 =	simm.s32 $0x1B8E;
	s24 =	sld [smem:$0x3FFE];
	[sflag:s5] =	ssyncadd.remote.s32 @!p0 $0x1  }
0xb4: {  	s26 =	simm.s32 $execute0_lowered;
	[smem:$0x3FD2] =	sst s25  }
0xb5: {  	s6 =	sshll.u32 s26, $0x1;
	_ =	strace $0x8000004F;
	[dreg:$0x1] =	wrdreg $0xFFFFFFFF  }
0xb6: {  	s28 =	simm.s32 $_size_execute0_lowered;
	s4 =	sadd.s32 s4, s6;
	[dreg:$0x0] =	wrdreg $0x0  }
0xb7: {  	s6 =	sshll.u32 s28, $0x1;
	[dreg:$0x2] =	wrdreg s4  }
0xb8: {  	[dreg:$0x3] =	wrdreg s6  }
0xb9: {  	[dreg:$0x4] =	wrdreg $0xC0  }
0xba: {  	_ =	task [dreg:s22], $0x5FFFF  }
0xbb: {  	[dreg:$0x1] =	wrdreg $0xFFFFFFFF  }
0xbc: {  	[dreg:$0x0] =	wrdreg $0x60  }
0xbd: {  	[dreg:$0x2] =	wrdreg s24  }
0xbe: {  	[dreg:$0x3] =	wrdreg s18  }
0xbf: {  	[dreg:$0x4] =	wrdreg $0x9  }
0xc0: {  	_ =	task.clear_ibuf [dreg:s22], $0x5FFFF;
	_ =	strace $0x9000004F  }
0xc1: {  	s29 =	simm.s32 $0x9;
	_ =	strace $0x80000051  }
0xc2: {  	_ =	swait.ge [sflag:s29], $0x1  }
0xc3: {  	[sflag:s29] =	ssyncadd.s32 $0xFFFFFFFF  }
0xc4: {  	_ =	strace $0x90000051  }
0xc5: {  	_ =	sfence  }
0xc6: {  	s30 =	sld [smem:$0x0];
	_ =	sdelay $0x2  }
0xc7: {  	s31 =	sshll.u32 s1, $0xD;
	s1 =	sshrl.u32 s1, $0x2  }
0xc8: {  	s4 =	sand.u32 $0x4000, s31;
	s1 =	sadd.s32 s1, s30  }
0xc9: {  	s0 =	sor.u32 s4, s0;
	s1 =	sshll.u32 s1, $0x11  }
0xca: {  	s0 =	sor.u32 s1, s0  }
0xcb: {  	s0 =	sadd.s32 $0x8F2B, s0  }
0xcc: {  	[sflag:s0] =	ssyncadd.remote.s32 $0x1  }
0xcd: {  	_ =	sfence.sel $0xFFFF  }
0xce: {  	[dreg:$0x0] =	wrdreg $0xFFFFFFFF;
	(pc) =	sbr.abs _section_cstart, $3  }
0xcf: {  	[dreg:$0x1] =	wrdreg $0xFFFFFFFF  }
0xd0: {  	_ =	task.clear_ibuf [dreg:s22], $0x2FFFF;
	_ =	strace $0x9FFFFFFF  }
0xd1: {  	(tm) =	ssettm $0x7FFFFFFF  }
tec
execute0_lowered:
.L_overlay_start_1:
0x0: {  	(tag) =	ssettag $0x1  }
0x1: {  	s4 =	rddreg [dreg:$0x0]  }
0x2: {  	s7 =	rddreg [dreg:$0x1]  }
0x3: {  	s0 =	rddreg [dreg:$0x2];
	s3 =	srdreg.scid  }
0x4: {  	s1 =	stileid.u32;
	s2 =	simm.s32 $0x0;
	s12 =	simm.s32 $0x3900  }
0x5: {  	s13 =	simm.s32 $0x1;
	s14 =	simm.s32 $0x2;
	s15 =	simm.s32 $0x0  }
0x6: {  	s5 =	sand.u32 $0x1, s3;
	s26 =	sshll.u32 s1, $0x1;
	s29 =	smul.u32 $0x19000, s1  }
0x7: {  	[smem:$0x7FF] =	sst s2;
	s6 =	sor.u32 s5, s26;
	s11 =	smul.u32 $0xC800, s5  }
0x8: {  	s3 =	sadd.s32 $0x14400, s4;
	s9 =	ssub.s32 $0x2, s5;
	s8 =	smul.u32 $0x320, s6  }
0x9: {  	_ =	strace $0x80000050;
	s10 =	sshrl.u32 s9, $0x1;
	s6 =	smul.u32 $0xC800, s6  }
0xa: {  	s31 =	sadd.s32 s29, s7;
	s28 =	ssub.s32 s9, s10;
	s9 =	simm.s32 $0x3  }
0xb: {  	s10 =	simm.s32 $0x80;
	s4 =	sadd.s32 s8, s4;
	s30 =	sadd.s32 s7, s6  }
0xc: {  	s5 =	smax.u32 s28, $0x1;
	s8 =	sadd.s32 s11, s31;
	s11 =	simm.s32 $0x1900  }
0xd: {  	s4 =	sadd.s32 $0xC74400, s4;
	s6 =	sadd.s32 $0xC000, s30;
	s7 =	sadd.s32 $0xC400, s30  }
.LBB2_1:
0xe: {  	[tilespmem:s2], [sflag:$0x3] =	stream.linear.gather [hbm4b:s4+s2], $0x1900, $0x38;
	[tilespmem:$0x5900] =	vst v63  }
0xf: {  	_ =	swait.ge [sflag:s9], $0x1900  }
0x10: {  	[sflag:s9] =	ssyncset.done $0x0  }
0x11: {  	[sflag:s9] =	ssyncadd.s32 $0xFFFFE700  }
0x12: {  	[tilespmem:s11], [sflag:$0x1] =	stream.indirect.gather [hbm4b:s3+s10], $0x40, s2, s10, $0xb8;
	[tilespmem:$0x5900] =	vst v63  }
0x13: {  	_ = 	snop  }
0x14: {  	[tilespmem:s12], [sflag:$0x2] =	stream.indirect.gather [hbm4b:s3+s10], $0x40, s10, s10, $0xb8;
	[tilespmem:$0x5900] =	vst v63  }
0x15: {  	_ =	swait.ge [sflag:s13], $0x2000  }
0x16: {  	[sflag:s13] =	ssyncset.done $0x0  }
0x17: {  	s16 =	sadd.s32 $0x0, s8;
	[sflag:s13] =	ssyncadd.s32 $0xFFFFE000  }
0x18: {  	[hbm4b:s16+s2] =	stream.linear.scatter [tilespmem:s11], [sflag:$0x3], $0x2000, $0x38;
	[tilespmem:$0x5900] =	vst v63  }
0x19: {  	_ =	swait.ge [sflag:s9], $0x2000  }
0x1a: {  	[sflag:s9] =	ssyncset.done $0x0  }
0x1b: {  	s17 =	simm.s32 $0x100;
	[sflag:s9] =	ssyncadd.s32 $0xFFFFE000  }
0x1c: {  	[tilespmem:s11], [sflag:$0x1] =	stream.indirect.gather [hbm4b:s3+s10], $0x40, s17, s10, $0xb8;
	[tilespmem:$0x5900] =	vst v63  }
0x1d: {  	_ =	swait.ge [sflag:s14], $0x2000  }
0x1e: {  	[sflag:s14] =	ssyncset.done $0x0  }
0x1f: {  	s16 =	sadd.s32 $0x400, s16;
	[sflag:s14] =	ssyncadd.s32 $0xFFFFE000  }
0x20: {  	[hbm4b:s16+s2] =	stream.linear.scatter [tilespmem:s12], [sflag:$0x3], $0x2000, $0x38;
	[tilespmem:$0x5900] =	vst v63  }
0x21: {  	_ =	swait.ge [sflag:s9], $0x2000  }
0x22: {  	s18 =	simm.s32 $0x280;
	[sflag:s9] =	ssyncset.done $0x0  }
0x23: {  	s17 =	simm.s32 $0x800;
	s16 =	simm.s32 $0x180;
	[sflag:s9] =	ssyncadd.s32 $0xFFFFE000  }
.LBB2_2:
0x24: {  	[tilespmem:s12], [sflag:$0x2] =	stream.indirect.gather [hbm4b:s3+s10], $0x40, s16, s10, $0xb8;
	[tilespmem:$0x5900] =	vst v63  }
0x25: {  	s19 =	smov.u32 s17;
	s16 =	smov.u32 s18  }
0x26: {  	p0 =	sne.s32 s17, $0xB800;
	s17 =	sadd.s32 $0x800, s17;
	_ =	swait.ge [sflag:s13], $0x2000  }
0x27: {  	[sflag:s13] =	ssyncset.done $0x0  }
0x28: {  	s19 =	sadd.s32 s19, s8;
	[sflag:s13] =	ssyncadd.s32 $0xFFFFE000  }
0x29: {  	[hbm4b:s19+s2] =	stream.linear.scatter [tilespmem:s11], [sflag:$0x3], $0x2000, $0x38;
	[tilespmem:$0x5900] =	vst v63  }
0x2a: {  	_ =	swait.ge [sflag:s9], $0x2000  }
0x2b: {  	[sflag:s9] =	ssyncset.done $0x0  }
0x2c: {  	s20 =	sadd.s32 $0xFFFFFF80, s18;
	[sflag:s9] =	ssyncadd.s32 $0xFFFFE000  }
0x2d: {  	[tilespmem:s11], [sflag:$0x1] =	stream.indirect.gather [hbm4b:s3+s10], $0x40, s20, s10, $0xb8;
	[tilespmem:$0x5900] =	vst v63  }
0x2e: {  	_ =	swait.ge [sflag:s14], $0x2000  }
0x2f: {  	[sflag:s14] =	ssyncset.done $0x0  }
.Ltmp0:
0x30: {  	s19 =	sadd.s32 $0x400, s19;
	[sflag:s14] =	ssyncadd.s32 $0xFFFFE000;
	(pc) =	sbr.rel @p0 .LBB2_2-.Ltmp0, $4  }
0x31: {  	[hbm4b:s19+s2] =	stream.linear.scatter [tilespmem:s12], [sflag:$0x3], $0x2000, $0x38;
	[tilespmem:$0x5900] =	vst v63  }
0x32: {  	_ =	swait.ge [sflag:s9], $0x2000  }
0x33: {  	[sflag:s9] =	ssyncset.done $0x0  }
0x34: {  	s18 =	sadd.s32 $0x100, s18;
	[sflag:s9] =	ssyncadd.s32 $0xFFFFE000  }
0x35: {  	[tilespmem:s12], [sflag:$0x2] =	stream.indirect.gather [hbm4b:s3+s10], $0x40, s16, s10, $0xb8;
	[tilespmem:$0x5900] =	vst v63  }
0x36: {  	_ =	swait.ge [sflag:s13], $0x2000  }
0x37: {  	[sflag:s13] =	ssyncset.done $0x0  }
0x38: {  	[sflag:s13] =	ssyncadd.s32 $0xFFFFE000  }
0x39: {  	[hbm4b:s6+s2] =	stream.linear.scatter [tilespmem:s11], [sflag:$0x3], $0x2000, $0x38;
	[tilespmem:$0x5900] =	vst v63  }
0x3a: {  	_ =	swait.ge [sflag:s9], $0x2000  }
0x3b: {  	[sflag:s9] =	ssyncset.done $0x0  }
0x3c: {  	[sflag:s9] =	ssyncadd.s32 $0xFFFFE000  }
0x3d: {  	s15 =	sadd.s32 $0x1, s15;
	_ =	swait.ge [sflag:s14], $0x2000  }
0x3e: {  	p0 =	sne.s32 s15, s5;
	[sflag:s14] =	ssyncset.done $0x0  }
.Ltmp1:
0x3f: {  	[sflag:s14] =	ssyncadd.s32 $0xFFFFE000;
	(pc) =	sbr.rel @p0 .LBB2_1-.Ltmp1, $4  }
0x40: {  	[hbm4b:s7+s2] =	stream.linear.scatter [tilespmem:s12], [sflag:$0x3], $0x2000, $0x38;
	[tilespmem:$0x5900] =	vst v63  }
0x41: {  	_ =	swait.ge [sflag:s9], $0x2000  }
0x42: {  	[sflag:s9] =	ssyncset.done $0x0  }
0x43: {  	[sflag:s9] =	ssyncadd.s32 $0xFFFFE000  }
0x44: {  	_ =	sfence.sel $0x180000  }
0x45: {  	[bflag:$0x0] =	sbarrier.arrive $0xFFFF  }
0x46: {  	p0 =	sne.s32 s1, $0x0;
	_ =	strace $0x90000050  }
0x47: {  	s0 =	sadd.s32 @!p0 $0x100000, s0;
	[bflag:$0x2] =	sbarrier.arrive $0xFFFF  }
0x48: {  	[sflag:s0] =	ssyncadd.tile.s32 @!p0 $0x1;
	_ =	shalt  }
.Lfunc_end2:
_tile_overlayer_lowered:
.L_overlay_start_2:
0x49: {  	(tag) =	ssettag $0x2  }
0x4a: {  	s0 =	rddreg [dreg:$0x0];
	s2 =	stileid.u32  }
0x4b: {  	s1 =	rddreg [dreg:$0x1];
	p0 =	sne.s32 s2, $0x0  }
0x4c: {  	s3 =	rddreg [dreg:$0x2];
	[bflag:$0x3] =	sbarrier.arrive $0xFFFF;
	s2 =	simm.s32 @!p0 $0x1C03  }
0x4d: {  	[timem:s3], [sflag:s2] =	dma.local @!p0 [hbm:s0], s1  }
0x4e: {  	s0 =	simm.s32 @!p0 $0x3  }
0x4f: {  	_ =	swait.ge @!p0 [sflag:s0], s1  }
0x50: {  	s1 =	ssub.s32 @!p0 $0x0, s1;
	[sflag:s0] =	ssyncset.done @!p0 $0x0  }
0x51: {  	[sflag:s0] =	ssyncadd.s32 @!p0 s1  }
0x52: {  	[bflag:$0x3] =	sbarrier.arrive $0xFFFF  }
0x53: {  	_ =	shalt  }

// kernel: kernel.14.cloned.1.call-start
scs
__scs_entry_jumppad:
0x0: {  	(pc) =	sbr.rel $0x88, $3  }
0x1: {  	(tag) =	ssettag $0x0;
	lr =	simm.s32 $0x1  }
0x2: {  	[smem:$0x3F9F] =	sst lr;
	_ =	strace $0xD0000000  }
0x3: {  	_ = 	snop  }
0x4: {  	_ = 	snop  }
0x5: {  	_ = 	snop  }
0x6: {  	_ = 	snop  }
0x7: {  	_ = 	snop  }
__scs_overlays_trampoline_lowered:
0x8: {  	[smem:$0x3FAE] =	sst s0  }
0x9: {  	[smem:$0x3FAF] =	sst s1  }
0xa: {  	[smem:$0x3FB0] =	sst s2  }
0xb: {  	[smem:$0x3FB1] =	sst s3  }
0xc: {  	[smem:$0x3FB2] =	sst s4  }
0xd: {  	[smem:$0x3FB3] =	sst s5  }
0xe: {  	[smem:$0x3FB4] =	sst s6  }
0xf: {  	[smem:$0x3FB5] =	sst s7  }
0x10: {  	[smem:$0x3FB6] =	sst s8  }
0x11: {  	[smem:$0x3FB7] =	sst s9;
	s0 =	simm.s32 @!p0 $0x0  }
0x12: {  	s1 =	sld [smem:$0x3F9D];
	s0 =	simm.s32 @p0 $0x1  }
0x13: {  	[smem:$0x3FB8] =	sst s0;
	s0 =	simm.s32 @!p1 $0x0  }
0x14: {  	s2 =	sld [smem:$0x3F9C];
	s0 =	simm.s32 @p1 $0x1  }
0x15: {  	[smem:$0x3FB9] =	sst s0;
	s0 =	simm.s32 @!p2 $0x0  }
0x16: {  	s3 =	sld [smem:$0x3FDB];
	s0 =	simm.s32 @p2 $0x1  }
0x17: {  	s4 =	simm.s32 $0x1BF5;
	[smem:$0x3FBB] =	sst s0  }
0x18: {  	s0 =	sld [smem:$0x3F9E];
	_ =	swait.ge [sflag:s4], $0x0  }
0x19: {  	s7 =	sld [smem:$0x3F9F]  }
0x1a: {  	s8 =	sadd.s32 $0xFFFFE003, lr  }
0x1b: {  	s9 =	sadd.s32 $0xFFFFFEF7, lr;
	s5 =	simm.s32 $0xFFFFFFFF;
	p2 =	slt.u32 s8, $0xFFFFF086  }
0x1c: {  	p1 =	slt.u32 s9, $0xF7A;
	s5 =	simm.s32 @!p2 $0x0  }
0x1d: {  	s5 =	simm.s32 @p1 $0x1;
	p0 =	seq.s32 s7, s2  }
0x1e: {  	s7 =	smul.u32 @!p0 $0xF7A, s2;
	p2 =	seq.s32 @!p0 s5, $0x0  }
0x1f: {  	s9 =	smul.u32 $0xF7A, s1;
	s8 =	simm.s32 @!p0 $0x1BF5;
	p2 =	por !p2, p0  }
0x20: {  	[sflag:s8] =	ssyncset.s32 @!p0 $0xFFFFF086;
	s6 =	sadd.s32 @!p0 s3, s7;
	s7 =	simm.s32 @!p0 $0x108  }
0x21: {  	s3 =	sadd.s32 s3, s9;
	s6 =	sadd.s32 @!p0 $0x88, s6;
	s7 =	simm.s32 @p2 $0x1082  }
0x22: {  	[simem:s7], [sflag:s8] =	dma.local @!p0 [hbm:s6], $0xF7A  }
0x23: {  	s9 =	sor.u32 $0xD0000000, s2;
	s6 =	simm.s32 $0x108;
	_ =	swait.ge @!p0 [sflag:s8], $0x0  }
0x24: {  	s3 =	sadd.s32 $0x88, s3;
	s6 =	simm.s32 @!p1 $0x1082;
	[sflag:s4] =	ssyncset.s32 $0xFFFFF086  }
0x25: {  	[simem:s6], [sflag:s4] =	dma.local [hbm:s3], $0xF7A  }
0x26: {  	[smem:$0x3F9F] =	sst s1;
	(tag) =	ssettag s2;
	_ =	strace s9  }
0x27: {  	s1 =	sld [smem:$0x3FAF]  }
0x28: {  	s2 =	sld [smem:$0x3FB0]  }
0x29: {  	s4 =	sld [smem:$0x3FB2]  }
0x2a: {  	p0 =	seq.s32 s5, $0x0;
	s5 =	sld [smem:$0x3FB3]  }
0x2b: {  	s6 =	sld [smem:$0x3FB4]  }
0x2c: {  	s7 =	sld [smem:$0x3FB5]  }
0x2d: {  	s3 =	simm.s32 $0x108;
	s8 =	sld [smem:$0x3FB6]  }
0x2e: {  	s3 =	simm.s32 @!p0 $0x1082;
	s9 =	sld [smem:$0x3FB7]  }
0x2f: {  	lr =	sadd.s32 s0, s3;
	s0 =	sld [smem:$0x3FAE]  }
0x30: {  	s3 =	sld [smem:$0x3FB1]  }
0x31: {  	[smem:$0x3FBA] =	sst s10  }
0x32: {  	s10 =	sld [smem:$0x3FB8];
	_ =	sdelay $0x3  }
0x33: {  	p0 =	seq.s32 s10, $0x1;
	s10 =	sld [smem:$0x3FBA];
	_ =	sdelay $0x3  }
0x34: {  	[smem:$0x3FBA] =	sst s10  }
0x35: {  	s10 =	sld [smem:$0x3FB9];
	_ =	sdelay $0x3  }
0x36: {  	p1 =	seq.s32 s10, $0x1;
	s10 =	sld [smem:$0x3FBA];
	_ =	sdelay $0x3  }
0x37: {  	[smem:$0x3FBA] =	sst s10  }
0x38: {  	s10 =	sld [smem:$0x3FBB]  }
0x39: {  	_ = 	snop;
	(pc) =	sbr.ind lr, $3  }
0x3a: {  	_ = 	snop  }
0x3b: {  	_ = 	snop  }
0x3c: {  	p2 =	seq.s32 s10, $0x1;
	s10 =	sld [smem:$0x3FBA]  }
0x3d: {  	_ =	shalt  }
0x3e: {  	_ =	shalt  }
0x3f: {  	_ =	shalt  }
0x40: {  	_ =	shalt  }
0x41: {  	_ =	shalt  }
0x42: {  	_ =	shalt  }
0x43: {  	_ =	shalt  }
0x44: {  	_ =	shalt  }
0x45: {  	_ =	shalt  }
0x46: {  	_ =	shalt  }
0x47: {  	_ =	shalt  }
0x48: {  	_ =	shalt  }
0x49: {  	_ =	shalt  }
0x4a: {  	_ =	shalt  }
0x4b: {  	_ =	shalt  }
0x4c: {  	_ =	shalt  }
0x4d: {  	_ =	shalt  }
0x4e: {  	_ =	shalt  }
0x4f: {  	_ =	shalt  }
0x50: {  	_ =	shalt  }
0x51: {  	_ =	shalt  }
0x52: {  	_ =	shalt  }
0x53: {  	_ =	shalt  }
0x54: {  	_ =	shalt  }
0x55: {  	_ =	shalt  }
0x56: {  	_ =	shalt  }
0x57: {  	_ =	shalt  }
0x58: {  	_ =	shalt  }
0x59: {  	_ =	shalt  }
0x5a: {  	_ =	shalt  }
0x5b: {  	_ =	shalt  }
0x5c: {  	_ =	shalt  }
0x5d: {  	_ =	shalt  }
0x5e: {  	_ =	shalt  }
0x5f: {  	_ =	shalt  }
0x60: {  	_ =	shalt  }
0x61: {  	_ =	shalt  }
0x62: {  	_ =	shalt  }
0x63: {  	_ =	shalt  }
0x64: {  	_ =	shalt  }
0x65: {  	_ =	shalt  }
0x66: {  	_ =	shalt  }
0x67: {  	_ =	shalt  }
0x68: {  	_ =	shalt  }
0x69: {  	_ =	shalt  }
0x6a: {  	_ =	shalt  }
0x6b: {  	_ =	shalt  }
0x6c: {  	_ =	shalt  }
0x6d: {  	_ =	shalt  }
0x6e: {  	_ =	shalt  }
0x6f: {  	_ =	shalt  }
0x70: {  	_ =	shalt  }
0x71: {  	_ =	shalt  }
0x72: {  	_ =	shalt  }
0x73: {  	_ =	shalt  }
0x74: {  	_ =	shalt  }
0x75: {  	_ =	shalt  }
0x76: {  	_ =	shalt  }
0x77: {  	_ =	shalt  }
0x78: {  	_ =	shalt  }
0x79: {  	_ =	shalt  }
0x7a: {  	_ =	shalt  }
0x7b: {  	_ =	shalt  }
0x7c: {  	_ =	shalt  }
0x7d: {  	_ =	shalt  }
0x7e: {  	_ =	shalt  }
0x7f: {  	_ =	shalt  }
0x80: {  	_ =	shalt  }
0x81: {  	_ =	shalt  }
0x82: {  	_ =	shalt  }
0x83: {  	_ =	shalt  }
0x84: {  	_ =	shalt  }
0x85: {  	_ =	shalt  }
0x86: {  	_ =	shalt  }
0x87: {  	_ =	shalt  }
.Lfunc_end0:
.L_simem_size_0:
called_computation.1_lowered:
.L_overlay_start_0:
0x88: {  	s2 =	sld [smem:$0x3FD9]  }
0x89: {  	s3 =	sld [smem:$0x3FFE];
	_ =	sdelay $0x1  }
0x8a: {  	s1 =	srdreg.scid  }
0x8b: {  	s0 =	sand.u32 $0x1, s1  }
0x8c: {  	s17 =	sshll.u32 s0, $0xA;
	s2 =	sadd.s32 s3, s2  }
0x8d: {  	s2 =	sadd.s32 s2, s17  }
0x8e: {  	[smem:$0x3FC6] =	sst s2  }
0x8f: {  	_ = 	snop  }
0x90: {  	(tm) =	ssettm $0x1  }
0x91: {  	s18 =	sld [smem:$0x3FFB];
	_ =	sdelay $0x3  }
0x92: {  	_ =	strace s18  }
0x93: {  	s2 =	sld [smem:$0x3FFC];
	_ =	sdelay $0x3  }
0x94: {  	_ =	strace s2  }
0x95: {  	s2 =	sld [smem:$0x3FFD];
	_ =	sdelay $0x3  }
0x96: {  	_ =	strace s2  }
0x97: {  	_ =	strace $0x8FFFFFFF  }
0x98: {  	s19 =	sld [smem:$0x3FDB];
	_ =	sdelay $0x1  }
0x99: {  	s20 =	simm.s32 $_scs_section_size  }
0x9a: {  	s4 =	simm.s32 $_size__tile_overlayer_lowered;
	s5 =	simm.s32 $_tile_overlayer_lowered  }
0x9b: {  	s6 =	simm.s32 $0x1BFF;
	s21 =	sshll.u32 s5, $0x1;
	s3 =	sadd.s32 s20, s19  }
0x9c: {  	s22 =	simm.s32 $0x0;
	s4 =	sshll.u32 s4, $0x1;
	s5 =	sadd.s32 s21, s3  }
0x9d: {  	[timem:s22], [sflag:s6] =	dma.local [hbm:s5], s4  }
0x9e: {  	_ =	swait.ge [sflag:s6], s4  }
0x9f: {  	s4 =	ssub.s32 $0x0, s4;
	[sflag:s6] =	ssyncset.done $0x0  }
0xa0: {  	[sflag:s6] =	ssyncadd.s32 s4;
	_ =	sdelay $0x1  }
0xa1: {  	s23 =	simm.s32 $0x1B8B  }
0xa2: {  	_ =	swait.ge [sflag:s23], $0x1  }
0xa3: {  	[sflag:s23] =	ssyncset.done $0x0  }
0xa4: {  	[sflag:s23] =	ssyncadd.s32 $0xFFFFFFFF  }
0xa5: {  	s4 =	sld [smem:$0x0]  }
0xa6: {  	s5 =	sand.u32 $0xFFFFFFFE, s1  }
0xa7: {  	p0 =	sne.s32 s1, s5  }
0xa8: {  	s5 =	sshll.u32 @p0 s5, $0xE  }
0xa9: {  	s5 =	sadd.s32 @p0 $0x11B8D, s5;
	s6 =	sshll.u32 @p0 s4, $0x11  }
0xaa: {  	s5 =	sor.u32 @p0 s6, s5  }
0xab: {  	[sflag:s5] =	ssyncadd.remote.s32 @p0 $0x1;
	_ =	sdelay $0x1  }
0xac: {  	s5 =	simm.s32 @p0 $0x1B8D  }
0xad: {  	_ =	swait.eq @p0 [sflag:s5], $0x1  }
0xae: {  	[sflag:s5] =	ssyncadd.s32 @p0 $0xFFFFFFFF  }
0xaf: {  	s6 =	sshll.u32 @!p0 s1, $0xE  }
0xb0: {  	s6 =	sor.u32 @!p0 $0x4000, s6;
	s5 =	simm.s32 @!p0 $0x1B8D  }
0xb1: {  	s4 =	sshll.u32 @!p0 s4, $0x11;
	s6 =	sadd.s32 @!p0 $0x11B8D, s6;
	_ =	swait.eq @!p0 [sflag:s5], $0x1  }
0xb2: {  	s4 =	sor.u32 @!p0 s4, s6;
	[sflag:s5] =	ssyncadd.s32 @!p0 $0xFFFFFFFF  }
0xb3: {  	s25 =	simm.s32 $0x1B8E;
	s24 =	sld [smem:$0x3FFE];
	[sflag:s4] =	ssyncadd.remote.s32 @!p0 $0x1  }
0xb4: {  	s26 =	simm.s32 $execute0_lowered;
	[smem:$0x3FD2] =	sst s25  }
0xb5: {  	s5 =	sshll.u32 s26, $0x1;
	_ =	strace $0x8000004C;
	[dreg:$0x1] =	wrdreg $0xFFFFFFFF  }
0xb6: {  	s28 =	simm.s32 $_size_execute0_lowered;
	s3 =	sadd.s32 s3, s5;
	[dreg:$0x0] =	wrdreg $0x0  }
0xb7: {  	s5 =	sshll.u32 s28, $0x1;
	[dreg:$0x2] =	wrdreg s3  }
0xb8: {  	[dreg:$0x3] =	wrdreg s5  }
0xb9: {  	[dreg:$0x4] =	wrdreg $0xC0  }
0xba: {  	_ =	task [dreg:s22], $0x5FFFF  }
0xbb: {  	[dreg:$0x1] =	wrdreg $0xFFFFFFFF  }
0xbc: {  	[dreg:$0x0] =	wrdreg $0x60  }
0xbd: {  	[dreg:$0x2] =	wrdreg s24  }
0xbe: {  	[dreg:$0x3] =	wrdreg $0xA  }
0xbf: {  	_ =	task.clear_ibuf [dreg:s22], $0x4FFFF;
	_ =	strace $0x9000004C  }
0xc0: {  	s29 =	simm.s32 $0xA;
	_ =	strace $0x8000004E  }
0xc1: {  	_ =	swait.ge [sflag:s29], $0x1  }
0xc2: {  	[sflag:s29] =	ssyncadd.s32 $0xFFFFFFFF  }
0xc3: {  	_ =	strace $0x9000004E  }
0xc4: {  	_ =	sfence  }
0xc5: {  	s30 =	sld [smem:$0x0];
	_ =	sdelay $0x2  }
0xc6: {  	s31 =	sshll.u32 s1, $0xD;
	s1 =	sshrl.u32 s1, $0x2  }
0xc7: {  	s4 =	sand.u32 $0x4000, s31;
	s1 =	sadd.s32 s1, s30  }
0xc8: {  	s0 =	sor.u32 s4, s0;
	s1 =	sshll.u32 s1, $0x11  }
0xc9: {  	s0 =	sor.u32 s1, s0  }
0xca: {  	s0 =	sadd.s32 $0x8F2B, s0  }
0xcb: {  	[sflag:s0] =	ssyncadd.remote.s32 $0x1  }
0xcc: {  	_ =	sfence.sel $0xFFFF  }
0xcd: {  	[dreg:$0x0] =	wrdreg $0xFFFFFFFF;
	(pc) =	sbr.abs _section_cstart, $3  }
0xce: {  	[dreg:$0x1] =	wrdreg $0xFFFFFFFF  }
0xcf: {  	_ =	task.clear_ibuf [dreg:s22], $0x2FFFF;
	_ =	strace $0x9FFFFFFF  }
0xd0: {  	(tm) =	ssettm $0x7FFFFFFF  }
0xd1: {  	_ =	shalt  }
tec
execute0_lowered:
.L_overlay_start_1:
0x0: {  	(tag) =	ssettag $0x1  }
0x1: {  	s1 =	srdreg.scid  }
0x2: {  	s0 =	stileid.u32;
	s4 =	rddreg [dreg:$0x0];
	s2 =	simm.s32 $0x0  }
0x3: {  	s12 =	simm.s32 $0x3900;
	s13 =	simm.s32 $0x1;
	s14 =	simm.s32 $0x2  }
0x4: {  	s15 =	simm.s32 $0x0;
	s5 =	sand.u32 $0x1, s1;
	s1 =	rddreg [dreg:$0x1]  }
0x5: {  	s3 =	sshll.u32 s0, $0x1;
	[smem:$0x7FF] =	sst s2;
	s29 =	smul.u32 $0x19000, s0  }
0x6: {  	s10 =	sadd.s32 $0xAE4400, s4;
	s6 =	sor.u32 s5, s3;
	s11 =	smul.u32 $0xC800, s5  }
0x7: {  	_ =	strace $0x8000004D;
	s8 =	ssub.s32 $0x2, s5;
	s7 =	smul.u32 $0x320, s6  }
0x8: {  	s3 =	sadd.s32 $0x14400, s4;
	s9 =	sshrl.u32 s8, $0x1;
	s6 =	smul.u32 $0xC800, s6  }
0x9: {  	s31 =	sadd.s32 s29, s10;
	s8 =	ssub.s32 s8, s9;
	s9 =	simm.s32 $0x3  }
0xa: {  	s7 =	sadd.s32 s7, s4;
	s30 =	sadd.s32 s10, s6;
	s5 =	smax.u32 s8, $0x1  }
0xb: {  	s8 =	sadd.s32 s11, s31;
	s10 =	simm.s32 $0x80;
	s11 =	simm.s32 $0x1900  }
0xc: {  	s4 =	sadd.s32 $0xE000, s7;
	s6 =	sadd.s32 $0xC000, s30;
	s7 =	sadd.s32 $0xC400, s30  }
.LBB2_1:
0xd: {  	[tilespmem:s2], [sflag:$0x3] =	stream.linear.gather [hbm4b:s4+s2], $0x1900, $0x38;
	[tilespmem:$0x5900] =	vst v63  }
0xe: {  	_ =	swait.ge [sflag:s9], $0x1900  }
0xf: {  	[sflag:s9] =	ssyncset.done $0x0  }
0x10: {  	[sflag:s9] =	ssyncadd.s32 $0xFFFFE700  }
0x11: {  	[tilespmem:s11], [sflag:$0x1] =	stream.indirect.gather [hbm4b:s3+s10], $0x40, s2, s10, $0xb8;
	[tilespmem:$0x5900] =	vst v63  }
0x12: {  	_ = 	snop  }
0x13: {  	[tilespmem:s12], [sflag:$0x2] =	stream.indirect.gather [hbm4b:s3+s10], $0x40, s10, s10, $0xb8;
	[tilespmem:$0x5900] =	vst v63  }
0x14: {  	_ =	swait.ge [sflag:s13], $0x2000  }
0x15: {  	[sflag:s13] =	ssyncset.done $0x0  }
0x16: {  	s16 =	sadd.s32 $0x0, s8;
	[sflag:s13] =	ssyncadd.s32 $0xFFFFE000  }
0x17: {  	[hbm4b:s16+s2] =	stream.linear.scatter [tilespmem:s11], [sflag:$0x3], $0x2000, $0x38;
	[tilespmem:$0x5900] =	vst v63  }
0x18: {  	_ =	swait.ge [sflag:s9], $0x2000  }
0x19: {  	[sflag:s9] =	ssyncset.done $0x0  }
0x1a: {  	s17 =	simm.s32 $0x100;
	[sflag:s9] =	ssyncadd.s32 $0xFFFFE000  }
0x1b: {  	[tilespmem:s11], [sflag:$0x1] =	stream.indirect.gather [hbm4b:s3+s10], $0x40, s17, s10, $0xb8;
	[tilespmem:$0x5900] =	vst v63  }
0x1c: {  	_ =	swait.ge [sflag:s14], $0x2000  }
0x1d: {  	[sflag:s14] =	ssyncset.done $0x0  }
0x1e: {  	s16 =	sadd.s32 $0x400, s16;
	[sflag:s14] =	ssyncadd.s32 $0xFFFFE000  }
0x1f: {  	[hbm4b:s16+s2] =	stream.linear.scatter [tilespmem:s12], [sflag:$0x3], $0x2000, $0x38;
	[tilespmem:$0x5900] =	vst v63  }
0x20: {  	_ =	swait.ge [sflag:s9], $0x2000  }
0x21: {  	s18 =	simm.s32 $0x280;
	[sflag:s9] =	ssyncset.done $0x0  }
0x22: {  	s17 =	simm.s32 $0x800;
	s16 =	simm.s32 $0x180;
	[sflag:s9] =	ssyncadd.s32 $0xFFFFE000  }
.LBB2_2:
0x23: {  	[tilespmem:s12], [sflag:$0x2] =	stream.indirect.gather [hbm4b:s3+s10], $0x40, s16, s10, $0xb8;
	[tilespmem:$0x5900] =	vst v63  }
0x24: {  	s19 =	smov.u32 s17;
	s16 =	smov.u32 s18  }
0x25: {  	p0 =	sne.s32 s17, $0xB800;
	s17 =	sadd.s32 $0x800, s17;
	_ =	swait.ge [sflag:s13], $0x2000  }
0x26: {  	[sflag:s13] =	ssyncset.done $0x0  }
0x27: {  	s19 =	sadd.s32 s19, s8;
	[sflag:s13] =	ssyncadd.s32 $0xFFFFE000  }
0x28: {  	[hbm4b:s19+s2] =	stream.linear.scatter [tilespmem:s11], [sflag:$0x3], $0x2000, $0x38;
	[tilespmem:$0x5900] =	vst v63  }
0x29: {  	_ =	swait.ge [sflag:s9], $0x2000  }
0x2a: {  	[sflag:s9] =	ssyncset.done $0x0  }
0x2b: {  	s20 =	sadd.s32 $0xFFFFFF80, s18;
	[sflag:s9] =	ssyncadd.s32 $0xFFFFE000  }
0x2c: {  	[tilespmem:s11], [sflag:$0x1] =	stream.indirect.gather [hbm4b:s3+s10], $0x40, s20, s10, $0xb8;
	[tilespmem:$0x5900] =	vst v63  }
0x2d: {  	_ =	swait.ge [sflag:s14], $0x2000  }
0x2e: {  	[sflag:s14] =	ssyncset.done $0x0  }
.Ltmp0:
0x2f: {  	s19 =	sadd.s32 $0x400, s19;
	[sflag:s14] =	ssyncadd.s32 $0xFFFFE000;
	(pc) =	sbr.rel @p0 .LBB2_2-.Ltmp0, $4  }
0x30: {  	[hbm4b:s19+s2] =	stream.linear.scatter [tilespmem:s12], [sflag:$0x3], $0x2000, $0x38;
	[tilespmem:$0x5900] =	vst v63  }
0x31: {  	_ =	swait.ge [sflag:s9], $0x2000  }
0x32: {  	[sflag:s9] =	ssyncset.done $0x0  }
0x33: {  	s18 =	sadd.s32 $0x100, s18;
	[sflag:s9] =	ssyncadd.s32 $0xFFFFE000  }
0x34: {  	[tilespmem:s12], [sflag:$0x2] =	stream.indirect.gather [hbm4b:s3+s10], $0x40, s16, s10, $0xb8;
	[tilespmem:$0x5900] =	vst v63  }
0x35: {  	_ =	swait.ge [sflag:s13], $0x2000  }
0x36: {  	[sflag:s13] =	ssyncset.done $0x0  }
0x37: {  	[sflag:s13] =	ssyncadd.s32 $0xFFFFE000  }
0x38: {  	[hbm4b:s6+s2] =	stream.linear.scatter [tilespmem:s11], [sflag:$0x3], $0x2000, $0x38;
	[tilespmem:$0x5900] =	vst v63  }
0x39: {  	_ =	swait.ge [sflag:s9], $0x2000  }
0x3a: {  	[sflag:s9] =	ssyncset.done $0x0  }
0x3b: {  	[sflag:s9] =	ssyncadd.s32 $0xFFFFE000  }
0x3c: {  	s15 =	sadd.s32 $0x1, s15;
	_ =	swait.ge [sflag:s14], $0x2000  }
0x3d: {  	p0 =	sne.s32 s15, s5;
	[sflag:s14] =	ssyncset.done $0x0  }
.Ltmp1:
0x3e: {  	[sflag:s14] =	ssyncadd.s32 $0xFFFFE000;
	(pc) =	sbr.rel @p0 .LBB2_1-.Ltmp1, $4  }
0x3f: {  	[hbm4b:s7+s2] =	stream.linear.scatter [tilespmem:s12], [sflag:$0x3], $0x2000, $0x38;
	[tilespmem:$0x5900] =	vst v63  }
0x40: {  	_ =	swait.ge [sflag:s9], $0x2000  }
0x41: {  	[sflag:s9] =	ssyncset.done $0x0  }
0x42: {  	[sflag:s9] =	ssyncadd.s32 $0xFFFFE000  }
0x43: {  	_ =	sfence.sel $0x180000  }
0x44: {  	[bflag:$0x0] =	sbarrier.arrive $0xFFFF  }
0x45: {  	p0 =	sne.s32 s0, $0x0;
	_ =	strace $0x9000004D  }
0x46: {  	s0 =	sadd.s32 @!p0 $0x100000, s1;
	[bflag:$0x2] =	sbarrier.arrive $0xFFFF  }
0x47: {  	[sflag:s0] =	ssyncadd.tile.s32 @!p0 $0x1;
	_ =	shalt  }
.Lfunc_end2:
_tile_overlayer_lowered:
.L_overlay_start_2:
0x48: {  	(tag) =	ssettag $0x2  }
0x49: {  	s0 =	rddreg [dreg:$0x0];
	s2 =	stileid.u32  }
0x4a: {  	s1 =	rddreg [dreg:$0x1];
	p0 =	sne.s32 s2, $0x0  }
0x4b: {  	s3 =	rddreg [dreg:$0x2];
	[bflag:$0x3] =	sbarrier.arrive $0xFFFF;
	s2 =	simm.s32 @!p0 $0x1C03  }
0x4c: {  	[timem:s3], [sflag:s2] =	dma.local @!p0 [hbm:s0], s1  }
0x4d: {  	s0 =	simm.s32 @!p0 $0x3  }
0x4e: {  	_ =	swait.ge @!p0 [sflag:s0], s1  }
0x4f: {  	s1 =	ssub.s32 @!p0 $0x0, s1;
	[sflag:s0] =	ssyncset.done @!p0 $0x0  }
0x50: {  	[sflag:s0] =	ssyncadd.s32 @!p0 s1  }
0x51: {  	[bflag:$0x3] =	sbarrier.arrive $0xFFFF  }
0x52: {  	_ =	shalt  }

// kernel: kernel.17.cloned.1.call-start
scs
__scs_entry_jumppad:
0x0: {  	(pc) =	sbr.rel $0x88, $3  }
0x1: {  	(tag) =	ssettag $0x0;
	lr =	simm.s32 $0x1  }
0x2: {  	[smem:$0x3F9F] =	sst lr;
	_ =	strace $0xD0000000  }
0x3: {  	_ = 	snop  }
0x4: {  	_ = 	snop  }
0x5: {  	_ = 	snop  }
0x6: {  	_ = 	snop  }
0x7: {  	_ = 	snop  }
__scs_overlays_trampoline_lowered:
0x8: {  	[smem:$0x3FAE] =	sst s0  }
0x9: {  	[smem:$0x3FAF] =	sst s1  }
0xa: {  	[smem:$0x3FB0] =	sst s2  }
0xb: {  	[smem:$0x3FB1] =	sst s3  }
0xc: {  	[smem:$0x3FB2] =	sst s4  }
0xd: {  	[smem:$0x3FB3] =	sst s5  }
0xe: {  	[smem:$0x3FB4] =	sst s6  }
0xf: {  	[smem:$0x3FB5] =	sst s7  }
0x10: {  	[smem:$0x3FB6] =	sst s8  }
0x11: {  	[smem:$0x3FB7] =	sst s9;
	s0 =	simm.s32 @!p0 $0x0  }
0x12: {  	s1 =	sld [smem:$0x3F9D];
	s0 =	simm.s32 @p0 $0x1  }
0x13: {  	[smem:$0x3FB8] =	sst s0;
	s0 =	simm.s32 @!p1 $0x0  }
0x14: {  	s2 =	sld [smem:$0x3F9C];
	s0 =	simm.s32 @p1 $0x1  }
0x15: {  	[smem:$0x3FB9] =	sst s0;
	s0 =	simm.s32 @!p2 $0x0  }
0x16: {  	s3 =	sld [smem:$0x3FDB];
	s0 =	simm.s32 @p2 $0x1  }
0x17: {  	s4 =	simm.s32 $0x1BF5;
	[smem:$0x3FBB] =	sst s0  }
0x18: {  	s0 =	sld [smem:$0x3F9E];
	_ =	swait.ge [sflag:s4], $0x0  }
0x19: {  	s7 =	sld [smem:$0x3F9F]  }
0x1a: {  	s8 =	sadd.s32 $0xFFFFE003, lr  }
0x1b: {  	s9 =	sadd.s32 $0xFFFFFEF7, lr;
	s5 =	simm.s32 $0xFFFFFFFF;
	p2 =	slt.u32 s8, $0xFFFFF086  }
0x1c: {  	p1 =	slt.u32 s9, $0xF7A;
	s5 =	simm.s32 @!p2 $0x0  }
0x1d: {  	s5 =	simm.s32 @p1 $0x1;
	p0 =	seq.s32 s7, s2  }
0x1e: {  	s7 =	smul.u32 @!p0 $0xF7A, s2;
	p2 =	seq.s32 @!p0 s5, $0x0  }
0x1f: {  	s9 =	smul.u32 $0xF7A, s1;
	s8 =	simm.s32 @!p0 $0x1BF5;
	p2 =	por !p2, p0  }
0x20: {  	[sflag:s8] =	ssyncset.s32 @!p0 $0xFFFFF086;
	s6 =	sadd.s32 @!p0 s3, s7;
	s7 =	simm.s32 @!p0 $0x108  }
0x21: {  	s3 =	sadd.s32 s3, s9;
	s6 =	sadd.s32 @!p0 $0x88, s6;
	s7 =	simm.s32 @p2 $0x1082  }
0x22: {  	[simem:s7], [sflag:s8] =	dma.local @!p0 [hbm:s6], $0xF7A  }
0x23: {  	s9 =	sor.u32 $0xD0000000, s2;
	s6 =	simm.s32 $0x108;
	_ =	swait.ge @!p0 [sflag:s8], $0x0  }
0x24: {  	s3 =	sadd.s32 $0x88, s3;
	s6 =	simm.s32 @!p1 $0x1082;
	[sflag:s4] =	ssyncset.s32 $0xFFFFF086  }
0x25: {  	[simem:s6], [sflag:s4] =	dma.local [hbm:s3], $0xF7A  }
0x26: {  	[smem:$0x3F9F] =	sst s1;
	(tag) =	ssettag s2;
	_ =	strace s9  }
0x27: {  	s1 =	sld [smem:$0x3FAF]  }
0x28: {  	s2 =	sld [smem:$0x3FB0]  }
0x29: {  	s4 =	sld [smem:$0x3FB2]  }
0x2a: {  	p0 =	seq.s32 s5, $0x0;
	s5 =	sld [smem:$0x3FB3]  }
0x2b: {  	s6 =	sld [smem:$0x3FB4]  }
0x2c: {  	s7 =	sld [smem:$0x3FB5]  }
0x2d: {  	s3 =	simm.s32 $0x108;
	s8 =	sld [smem:$0x3FB6]  }
0x2e: {  	s3 =	simm.s32 @!p0 $0x1082;
	s9 =	sld [smem:$0x3FB7]  }
0x2f: {  	lr =	sadd.s32 s0, s3;
	s0 =	sld [smem:$0x3FAE]  }
0x30: {  	s3 =	sld [smem:$0x3FB1]  }
0x31: {  	[smem:$0x3FBA] =	sst s10  }
0x32: {  	s10 =	sld [smem:$0x3FB8];
	_ =	sdelay $0x3  }
0x33: {  	p0 =	seq.s32 s10, $0x1;
	s10 =	sld [smem:$0x3FBA];
	_ =	sdelay $0x3  }
0x34: {  	[smem:$0x3FBA] =	sst s10  }
0x35: {  	s10 =	sld [smem:$0x3FB9];
	_ =	sdelay $0x3  }
0x36: {  	p1 =	seq.s32 s10, $0x1;
	s10 =	sld [smem:$0x3FBA];
	_ =	sdelay $0x3  }
0x37: {  	[smem:$0x3FBA] =	sst s10  }
0x38: {  	s10 =	sld [smem:$0x3FBB]  }
0x39: {  	_ = 	snop;
	(pc) =	sbr.ind lr, $3  }
0x3a: {  	_ = 	snop  }
0x3b: {  	_ = 	snop  }
0x3c: {  	p2 =	seq.s32 s10, $0x1;
	s10 =	sld [smem:$0x3FBA]  }
0x3d: {  	_ =	shalt  }
0x3e: {  	_ =	shalt  }
0x3f: {  	_ =	shalt  }
0x40: {  	_ =	shalt  }
0x41: {  	_ =	shalt  }
0x42: {  	_ =	shalt  }
0x43: {  	_ =	shalt  }
0x44: {  	_ =	shalt  }
0x45: {  	_ =	shalt  }
0x46: {  	_ =	shalt  }
0x47: {  	_ =	shalt  }
0x48: {  	_ =	shalt  }
0x49: {  	_ =	shalt  }
0x4a: {  	_ =	shalt  }
0x4b: {  	_ =	shalt  }
0x4c: {  	_ =	shalt  }
0x4d: {  	_ =	shalt  }
0x4e: {  	_ =	shalt  }
0x4f: {  	_ =	shalt  }
0x50: {  	_ =	shalt  }
0x51: {  	_ =	shalt  }
0x52: {  	_ =	shalt  }
0x53: {  	_ =	shalt  }
0x54: {  	_ =	shalt  }
0x55: {  	_ =	shalt  }
0x56: {  	_ =	shalt  }
0x57: {  	_ =	shalt  }
0x58: {  	_ =	shalt  }
0x59: {  	_ =	shalt  }
0x5a: {  	_ =	shalt  }
0x5b: {  	_ =	shalt  }
0x5c: {  	_ =	shalt  }
0x5d: {  	_ =	shalt  }
0x5e: {  	_ =	shalt  }
0x5f: {  	_ =	shalt  }
0x60: {  	_ =	shalt  }
0x61: {  	_ =	shalt  }
0x62: {  	_ =	shalt  }
0x63: {  	_ =	shalt  }
0x64: {  	_ =	shalt  }
0x65: {  	_ =	shalt  }
0x66: {  	_ =	shalt  }
0x67: {  	_ =	shalt  }
0x68: {  	_ =	shalt  }
0x69: {  	_ =	shalt  }
0x6a: {  	_ =	shalt  }
0x6b: {  	_ =	shalt  }
0x6c: {  	_ =	shalt  }
0x6d: {  	_ =	shalt  }
0x6e: {  	_ =	shalt  }
0x6f: {  	_ =	shalt  }
0x70: {  	_ =	shalt  }
0x71: {  	_ =	shalt  }
0x72: {  	_ =	shalt  }
0x73: {  	_ =	shalt  }
0x74: {  	_ =	shalt  }
0x75: {  	_ =	shalt  }
0x76: {  	_ =	shalt  }
0x77: {  	_ =	shalt  }
0x78: {  	_ =	shalt  }
0x79: {  	_ =	shalt  }
0x7a: {  	_ =	shalt  }
0x7b: {  	_ =	shalt  }
0x7c: {  	_ =	shalt  }
0x7d: {  	_ =	shalt  }
0x7e: {  	_ =	shalt  }
0x7f: {  	_ =	shalt  }
0x80: {  	_ =	shalt  }
0x81: {  	_ =	shalt  }
0x82: {  	_ =	shalt  }
0x83: {  	_ =	shalt  }
0x84: {  	_ =	shalt  }
0x85: {  	_ =	shalt  }
0x86: {  	_ =	shalt  }
0x87: {  	_ =	shalt  }
.Lfunc_end0:
.L_simem_size_0:
called_computation.2_lowered:
.L_overlay_start_0:
0x88: {  	s2 =	sld [smem:$0x3FD9]  }
0x89: {  	s3 =	sld [smem:$0x3FFE];
	_ =	sdelay $0x1  }
0x8a: {  	s1 =	srdreg.scid  }
0x8b: {  	s0 =	sand.u32 $0x1, s1  }
0x8c: {  	s17 =	sshll.u32 s0, $0xA;
	s2 =	sadd.s32 s3, s2  }
0x8d: {  	s2 =	sadd.s32 s2, s17  }
0x8e: {  	[smem:$0x3FC6] =	sst s2  }
0x8f: {  	_ = 	snop  }
0x90: {  	(tm) =	ssettm $0x1  }
0x91: {  	s18 =	sld [smem:$0x3FFB];
	_ =	sdelay $0x3  }
0x92: {  	_ =	strace s18  }
0x93: {  	s2 =	sld [smem:$0x3FFC];
	_ =	sdelay $0x3  }
0x94: {  	_ =	strace s2  }
0x95: {  	s2 =	sld [smem:$0x3FFD];
	_ =	sdelay $0x3  }
0x96: {  	_ =	strace s2  }
0x97: {  	_ =	strace $0x8FFFFFFF  }
0x98: {  	s19 =	sld [smem:$0x3FDB];
	_ =	sdelay $0x1  }
0x99: {  	s20 =	simm.s32 $_scs_section_size  }
0x9a: {  	s4 =	simm.s32 $_size__tile_overlayer_lowered;
	s5 =	simm.s32 $_tile_overlayer_lowered  }
0x9b: {  	s6 =	simm.s32 $0x1BFF;
	s21 =	sshll.u32 s5, $0x1;
	s3 =	sadd.s32 s20, s19  }
0x9c: {  	s22 =	simm.s32 $0x0;
	s4 =	sshll.u32 s4, $0x1;
	s5 =	sadd.s32 s21, s3  }
0x9d: {  	[timem:s22], [sflag:s6] =	dma.local [hbm:s5], s4  }
0x9e: {  	_ =	swait.ge [sflag:s6], s4  }
0x9f: {  	s4 =	ssub.s32 $0x0, s4;
	[sflag:s6] =	ssyncset.done $0x0  }
0xa0: {  	[sflag:s6] =	ssyncadd.s32 s4;
	_ =	sdelay $0x1  }
0xa1: {  	s23 =	simm.s32 $0x1B8B  }
0xa2: {  	_ =	swait.ge [sflag:s23], $0x1  }
0xa3: {  	[sflag:s23] =	ssyncset.done $0x0  }
0xa4: {  	[sflag:s23] =	ssyncadd.s32 $0xFFFFFFFF  }
0xa5: {  	s4 =	sld [smem:$0x0]  }
0xa6: {  	s5 =	sand.u32 $0xFFFFFFFE, s1  }
0xa7: {  	p0 =	sne.s32 s1, s5  }
0xa8: {  	s5 =	sshll.u32 @p0 s5, $0xE  }
0xa9: {  	s5 =	sadd.s32 @p0 $0x11B8D, s5;
	s6 =	sshll.u32 @p0 s4, $0x11  }
0xaa: {  	s5 =	sor.u32 @p0 s6, s5  }
0xab: {  	[sflag:s5] =	ssyncadd.remote.s32 @p0 $0x1;
	_ =	sdelay $0x1  }
0xac: {  	s5 =	simm.s32 @p0 $0x1B8D  }
0xad: {  	_ =	swait.eq @p0 [sflag:s5], $0x1  }
0xae: {  	[sflag:s5] =	ssyncadd.s32 @p0 $0xFFFFFFFF  }
0xaf: {  	s6 =	sshll.u32 @!p0 s1, $0xE  }
0xb0: {  	s6 =	sor.u32 @!p0 $0x4000, s6;
	s5 =	simm.s32 @!p0 $0x1B8D  }
0xb1: {  	s4 =	sshll.u32 @!p0 s4, $0x11;
	s6 =	sadd.s32 @!p0 $0x11B8D, s6;
	_ =	swait.eq @!p0 [sflag:s5], $0x1  }
0xb2: {  	s4 =	sor.u32 @!p0 s4, s6;
	[sflag:s5] =	ssyncadd.s32 @!p0 $0xFFFFFFFF  }
0xb3: {  	s25 =	simm.s32 $0x1B8E;
	s24 =	sld [smem:$0x3FFE];
	[sflag:s4] =	ssyncadd.remote.s32 @!p0 $0x1  }
0xb4: {  	s26 =	simm.s32 $execute0_lowered;
	[smem:$0x3FD2] =	sst s25  }
0xb5: {  	s5 =	sshll.u32 s26, $0x1;
	_ =	strace $0x80000049;
	[dreg:$0x1] =	wrdreg $0xFFFFFFFF  }
0xb6: {  	s28 =	simm.s32 $_size_execute0_lowered;
	s3 =	sadd.s32 s3, s5;
	[dreg:$0x0] =	wrdreg $0x0  }
0xb7: {  	s5 =	sshll.u32 s28, $0x1;
	[dreg:$0x2] =	wrdreg s3  }
0xb8: {  	[dreg:$0x3] =	wrdreg s5  }
0xb9: {  	[dreg:$0x4] =	wrdreg $0xC0  }
0xba: {  	_ =	task [dreg:s22], $0x5FFFF  }
0xbb: {  	[dreg:$0x1] =	wrdreg $0xFFFFFFFF  }
0xbc: {  	[dreg:$0x0] =	wrdreg $0x60  }
0xbd: {  	[dreg:$0x2] =	wrdreg s24  }
0xbe: {  	[dreg:$0x3] =	wrdreg $0xB  }
0xbf: {  	_ =	task.clear_ibuf [dreg:s22], $0x4FFFF;
	_ =	strace $0x90000049  }
0xc0: {  	s29 =	simm.s32 $0xB;
	_ =	strace $0x8000004B  }
0xc1: {  	_ =	swait.ge [sflag:s29], $0x1  }
0xc2: {  	[sflag:s29] =	ssyncadd.s32 $0xFFFFFFFF  }
0xc3: {  	_ =	strace $0x9000004B  }
0xc4: {  	_ =	sfence  }
0xc5: {  	s30 =	sld [smem:$0x0];
	_ =	sdelay $0x2  }
0xc6: {  	s31 =	sshll.u32 s1, $0xD;
	s1 =	sshrl.u32 s1, $0x2  }
0xc7: {  	s4 =	sand.u32 $0x4000, s31;
	s1 =	sadd.s32 s1, s30  }
0xc8: {  	s0 =	sor.u32 s4, s0;
	s1 =	sshll.u32 s1, $0x11  }
0xc9: {  	s0 =	sor.u32 s1, s0  }
0xca: {  	s0 =	sadd.s32 $0x8F2B, s0  }
0xcb: {  	[sflag:s0] =	ssyncadd.remote.s32 $0x1  }
0xcc: {  	_ =	sfence.sel $0xFFFF  }
0xcd: {  	[dreg:$0x0] =	wrdreg $0xFFFFFFFF;
	(pc) =	sbr.abs _section_cstart, $3  }
0xce: {  	[dreg:$0x1] =	wrdreg $0xFFFFFFFF  }
0xcf: {  	_ =	task.clear_ibuf [dreg:s22], $0x2FFFF;
	_ =	strace $0x9FFFFFFF  }
0xd0: {  	(tm) =	ssettm $0x7FFFFFFF  }
0xd1: {  	_ =	shalt  }
tec
execute0_lowered:
.L_overlay_start_1:
0x0: {  	(tag) =	ssettag $0x1  }
0x1: {  	s1 =	srdreg.scid  }
0x2: {  	s0 =	stileid.u32;
	s4 =	rddreg [dreg:$0x0];
	s2 =	simm.s32 $0x0  }
0x3: {  	s12 =	simm.s32 $0x3900;
	s13 =	simm.s32 $0x1;
	s14 =	simm.s32 $0x2  }
0x4: {  	s15 =	simm.s32 $0x0;
	s5 =	sand.u32 $0x1, s1;
	s1 =	rddreg [dreg:$0x1]  }
0x5: {  	s3 =	sshll.u32 s0, $0x1;
	[smem:$0x7FF] =	sst s2;
	s29 =	smul.u32 $0x19000, s0  }
0x6: {  	s10 =	sadd.s32 $0x954400, s4;
	s6 =	sor.u32 s5, s3;
	s11 =	smul.u32 $0xC800, s5  }
0x7: {  	_ =	strace $0x8000004A;
	s8 =	ssub.s32 $0x2, s5;
	s7 =	smul.u32 $0x320, s6  }
0x8: {  	s3 =	sadd.s32 $0x14400, s4;
	s9 =	sshrl.u32 s8, $0x1;
	s6 =	smul.u32 $0xC800, s6  }
0x9: {  	s31 =	sadd.s32 s29, s10;
	s8 =	ssub.s32 s8, s9;
	s9 =	simm.s32 $0x3  }
0xa: {  	s7 =	sadd.s32 s7, s4;
	s30 =	sadd.s32 s10, s6;
	s5 =	smax.u32 s8, $0x1  }
0xb: {  	s8 =	sadd.s32 s11, s31;
	s10 =	simm.s32 $0x80;
	s11 =	simm.s32 $0x1900  }
0xc: {  	s4 =	sadd.s32 $0x7C00, s7;
	s6 =	sadd.s32 $0xC000, s30;
	s7 =	sadd.s32 $0xC400, s30  }
.LBB2_1:
0xd: {  	[tilespmem:s2], [sflag:$0x3] =	stream.linear.gather [hbm4b:s4+s2], $0x1900, $0x38;
	[tilespmem:$0x5900] =	vst v63  }
0xe: {  	_ =	swait.ge [sflag:s9], $0x1900  }
0xf: {  	[sflag:s9] =	ssyncset.done $0x0  }
0x10: {  	[sflag:s9] =	ssyncadd.s32 $0xFFFFE700  }
0x11: {  	[tilespmem:s11], [sflag:$0x1] =	stream.indirect.gather [hbm4b:s3+s10], $0x40, s2, s10, $0xb8;
	[tilespmem:$0x5900] =	vst v63  }
0x12: {  	_ = 	snop  }
0x13: {  	[tilespmem:s12], [sflag:$0x2] =	stream.indirect.gather [hbm4b:s3+s10], $0x40, s10, s10, $0xb8;
	[tilespmem:$0x5900] =	vst v63  }
0x14: {  	_ =	swait.ge [sflag:s13], $0x2000  }
0x15: {  	[sflag:s13] =	ssyncset.done $0x0  }
0x16: {  	s16 =	sadd.s32 $0x0, s8;
	[sflag:s13] =	ssyncadd.s32 $0xFFFFE000  }
0x17: {  	[hbm4b:s16+s2] =	stream.linear.scatter [tilespmem:s11], [sflag:$0x3], $0x2000, $0x38;
	[tilespmem:$0x5900] =	vst v63  }
0x18: {  	_ =	swait.ge [sflag:s9], $0x2000  }
0x19: {  	[sflag:s9] =	ssyncset.done $0x0  }
0x1a: {  	s17 =	simm.s32 $0x100;
	[sflag:s9] =	ssyncadd.s32 $0xFFFFE000  }
0x1b: {  	[tilespmem:s11], [sflag:$0x1] =	stream.indirect.gather [hbm4b:s3+s10], $0x40, s17, s10, $0xb8;
	[tilespmem:$0x5900] =	vst v63  }
0x1c: {  	_ =	swait.ge [sflag:s14], $0x2000  }
0x1d: {  	[sflag:s14] =	ssyncset.done $0x0  }
0x1e: {  	s16 =	sadd.s32 $0x400, s16;
	[sflag:s14] =	ssyncadd.s32 $0xFFFFE000  }
0x1f: {  	[hbm4b:s16+s2] =	stream.linear.scatter [tilespmem:s12], [sflag:$0x3], $0x2000, $0x38;
	[tilespmem:$0x5900] =	vst v63  }
0x20: {  	_ =	swait.ge [sflag:s9], $0x2000  }
0x21: {  	s18 =	simm.s32 $0x280;
	[sflag:s9] =	ssyncset.done $0x0  }
0x22: {  	s17 =	simm.s32 $0x800;
	s16 =	simm.s32 $0x180;
	[sflag:s9] =	ssyncadd.s32 $0xFFFFE000  }
.LBB2_2:
0x23: {  	[tilespmem:s12], [sflag:$0x2] =	stream.indirect.gather [hbm4b:s3+s10], $0x40, s16, s10, $0xb8;
	[tilespmem:$0x5900] =	vst v63  }
0x24: {  	s19 =	smov.u32 s17;
	s16 =	smov.u32 s18  }
0x25: {  	p0 =	sne.s32 s17, $0xB800;
	s17 =	sadd.s32 $0x800, s17;
	_ =	swait.ge [sflag:s13], $0x2000  }
0x26: {  	[sflag:s13] =	ssyncset.done $0x0  }
0x27: {  	s19 =	sadd.s32 s19, s8;
	[sflag:s13] =	ssyncadd.s32 $0xFFFFE000  }
0x28: {  	[hbm4b:s19+s2] =	stream.linear.scatter [tilespmem:s11], [sflag:$0x3], $0x2000, $0x38;
	[tilespmem:$0x5900] =	vst v63  }
0x29: {  	_ =	swait.ge [sflag:s9], $0x2000  }
0x2a: {  	[sflag:s9] =	ssyncset.done $0x0  }
0x2b: {  	s20 =	sadd.s32 $0xFFFFFF80, s18;
	[sflag:s9] =	ssyncadd.s32 $0xFFFFE000  }
0x2c: {  	[tilespmem:s11], [sflag:$0x1] =	stream.indirect.gather [hbm4b:s3+s10], $0x40, s20, s10, $0xb8;
	[tilespmem:$0x5900] =	vst v63  }
0x2d: {  	_ =	swait.ge [sflag:s14], $0x2000  }
0x2e: {  	[sflag:s14] =	ssyncset.done $0x0  }
.Ltmp0:
0x2f: {  	s19 =	sadd.s32 $0x400, s19;
	[sflag:s14] =	ssyncadd.s32 $0xFFFFE000;
	(pc) =	sbr.rel @p0 .LBB2_2-.Ltmp0, $4  }
0x30: {  	[hbm4b:s19+s2] =	stream.linear.scatter [tilespmem:s12], [sflag:$0x3], $0x2000, $0x38;
	[tilespmem:$0x5900] =	vst v63  }
0x31: {  	_ =	swait.ge [sflag:s9], $0x2000  }
0x32: {  	[sflag:s9] =	ssyncset.done $0x0  }
0x33: {  	s18 =	sadd.s32 $0x100, s18;
	[sflag:s9] =	ssyncadd.s32 $0xFFFFE000  }
0x34: {  	[tilespmem:s12], [sflag:$0x2] =	stream.indirect.gather [hbm4b:s3+s10], $0x40, s16, s10, $0xb8;
	[tilespmem:$0x5900] =	vst v63  }
0x35: {  	_ =	swait.ge [sflag:s13], $0x2000  }
0x36: {  	[sflag:s13] =	ssyncset.done $0x0  }
0x37: {  	[sflag:s13] =	ssyncadd.s32 $0xFFFFE000  }
0x38: {  	[hbm4b:s6+s2] =	stream.linear.scatter [tilespmem:s11], [sflag:$0x3], $0x2000, $0x38;
	[tilespmem:$0x5900] =	vst v63  }
0x39: {  	_ =	swait.ge [sflag:s9], $0x2000  }
0x3a: {  	[sflag:s9] =	ssyncset.done $0x0  }
0x3b: {  	[sflag:s9] =	ssyncadd.s32 $0xFFFFE000  }
0x3c: {  	s15 =	sadd.s32 $0x1, s15;
	_ =	swait.ge [sflag:s14], $0x2000  }
0x3d: {  	p0 =	sne.s32 s15, s5;
	[sflag:s14] =	ssyncset.done $0x0  }
.Ltmp1:
0x3e: {  	[sflag:s14] =	ssyncadd.s32 $0xFFFFE000;
	(pc) =	sbr.rel @p0 .LBB2_1-.Ltmp1, $4  }
0x3f: {  	[hbm4b:s7+s2] =	stream.linear.scatter [tilespmem:s12], [sflag:$0x3], $0x2000, $0x38;
	[tilespmem:$0x5900] =	vst v63  }
0x40: {  	_ =	swait.ge [sflag:s9], $0x2000  }
0x41: {  	[sflag:s9] =	ssyncset.done $0x0  }
0x42: {  	[sflag:s9] =	ssyncadd.s32 $0xFFFFE000  }
0x43: {  	_ =	sfence.sel $0x180000  }
0x44: {  	[bflag:$0x0] =	sbarrier.arrive $0xFFFF  }
0x45: {  	p0 =	sne.s32 s0, $0x0;
	_ =	strace $0x9000004A  }
0x46: {  	s0 =	sadd.s32 @!p0 $0x100000, s1;
	[bflag:$0x2] =	sbarrier.arrive $0xFFFF  }
0x47: {  	[sflag:s0] =	ssyncadd.tile.s32 @!p0 $0x1;
	_ =	shalt  }
.Lfunc_end2:
_tile_overlayer_lowered:
.L_overlay_start_2:
0x48: {  	(tag) =	ssettag $0x2  }
0x49: {  	s0 =	rddreg [dreg:$0x0];
	s2 =	stileid.u32  }
0x4a: {  	s1 =	rddreg [dreg:$0x1];
	p0 =	sne.s32 s2, $0x0  }
0x4b: {  	s3 =	rddreg [dreg:$0x2];
	[bflag:$0x3] =	sbarrier.arrive $0xFFFF;
	s2 =	simm.s32 @!p0 $0x1C03  }
0x4c: {  	[timem:s3], [sflag:s2] =	dma.local @!p0 [hbm:s0], s1  }
0x4d: {  	s0 =	simm.s32 @!p0 $0x3  }
0x4e: {  	_ =	swait.ge @!p0 [sflag:s0], s1  }
0x4f: {  	s1 =	ssub.s32 @!p0 $0x0, s1;
	[sflag:s0] =	ssyncset.done @!p0 $0x0  }
0x50: {  	[sflag:s0] =	ssyncadd.s32 @!p0 s1  }
0x51: {  	[bflag:$0x3] =	sbarrier.arrive $0xFFFF  }
0x52: {  	_ =	shalt  }

// kernel: kernel.20.cloned.1.call-start
scs
__scs_entry_jumppad:
0x0: {  	(pc) =	sbr.rel $0x88, $3  }
0x1: {  	(tag) =	ssettag $0x0;
	lr =	simm.s32 $0x1  }
0x2: {  	[smem:$0x3F9F] =	sst lr;
	_ =	strace $0xD0000000  }
0x3: {  	_ = 	snop  }
0x4: {  	_ = 	snop  }
0x5: {  	_ = 	snop  }
0x6: {  	_ = 	snop  }
0x7: {  	_ = 	snop  }
__scs_overlays_trampoline_lowered:
0x8: {  	[smem:$0x3FAE] =	sst s0  }
0x9: {  	[smem:$0x3FAF] =	sst s1  }
0xa: {  	[smem:$0x3FB0] =	sst s2  }
0xb: {  	[smem:$0x3FB1] =	sst s3  }
0xc: {  	[smem:$0x3FB2] =	sst s4  }
0xd: {  	[smem:$0x3FB3] =	sst s5  }
0xe: {  	[smem:$0x3FB4] =	sst s6  }
0xf: {  	[smem:$0x3FB5] =	sst s7  }
0x10: {  	[smem:$0x3FB6] =	sst s8  }
0x11: {  	[smem:$0x3FB7] =	sst s9;
	s0 =	simm.s32 @!p0 $0x0  }
0x12: {  	s1 =	sld [smem:$0x3F9D];
	s0 =	simm.s32 @p0 $0x1  }
0x13: {  	[smem:$0x3FB8] =	sst s0;
	s0 =	simm.s32 @!p1 $0x0  }
0x14: {  	s2 =	sld [smem:$0x3F9C];
	s0 =	simm.s32 @p1 $0x1  }
0x15: {  	[smem:$0x3FB9] =	sst s0;
	s0 =	simm.s32 @!p2 $0x0  }
0x16: {  	s3 =	sld [smem:$0x3FDB];
	s0 =	simm.s32 @p2 $0x1  }
0x17: {  	s4 =	simm.s32 $0x1BF5;
	[smem:$0x3FBB] =	sst s0  }
0x18: {  	s0 =	sld [smem:$0x3F9E];
	_ =	swait.ge [sflag:s4], $0x0  }
0x19: {  	s7 =	sld [smem:$0x3F9F]  }
0x1a: {  	s8 =	sadd.s32 $0xFFFFE003, lr  }
0x1b: {  	s9 =	sadd.s32 $0xFFFFFEF7, lr;
	s5 =	simm.s32 $0xFFFFFFFF;
	p2 =	slt.u32 s8, $0xFFFFF086  }
0x1c: {  	p1 =	slt.u32 s9, $0xF7A;
	s5 =	simm.s32 @!p2 $0x0  }
0x1d: {  	s5 =	simm.s32 @p1 $0x1;
	p0 =	seq.s32 s7, s2  }
0x1e: {  	s7 =	smul.u32 @!p0 $0xF7A, s2;
	p2 =	seq.s32 @!p0 s5, $0x0  }
0x1f: {  	s9 =	smul.u32 $0xF7A, s1;
	s8 =	simm.s32 @!p0 $0x1BF5;
	p2 =	por !p2, p0  }
0x20: {  	[sflag:s8] =	ssyncset.s32 @!p0 $0xFFFFF086;
	s6 =	sadd.s32 @!p0 s3, s7;
	s7 =	simm.s32 @!p0 $0x108  }
0x21: {  	s3 =	sadd.s32 s3, s9;
	s6 =	sadd.s32 @!p0 $0x88, s6;
	s7 =	simm.s32 @p2 $0x1082  }
0x22: {  	[simem:s7], [sflag:s8] =	dma.local @!p0 [hbm:s6], $0xF7A  }
0x23: {  	s9 =	sor.u32 $0xD0000000, s2;
	s6 =	simm.s32 $0x108;
	_ =	swait.ge @!p0 [sflag:s8], $0x0  }
0x24: {  	s3 =	sadd.s32 $0x88, s3;
	s6 =	simm.s32 @!p1 $0x1082;
	[sflag:s4] =	ssyncset.s32 $0xFFFFF086  }
0x25: {  	[simem:s6], [sflag:s4] =	dma.local [hbm:s3], $0xF7A  }
0x26: {  	[smem:$0x3F9F] =	sst s1;
	(tag) =	ssettag s2;
	_ =	strace s9  }
0x27: {  	s1 =	sld [smem:$0x3FAF]  }
0x28: {  	s2 =	sld [smem:$0x3FB0]  }
0x29: {  	s4 =	sld [smem:$0x3FB2]  }
0x2a: {  	p0 =	seq.s32 s5, $0x0;
	s5 =	sld [smem:$0x3FB3]  }
0x2b: {  	s6 =	sld [smem:$0x3FB4]  }
0x2c: {  	s7 =	sld [smem:$0x3FB5]  }
0x2d: {  	s3 =	simm.s32 $0x108;
	s8 =	sld [smem:$0x3FB6]  }
0x2e: {  	s3 =	simm.s32 @!p0 $0x1082;
	s9 =	sld [smem:$0x3FB7]  }
0x2f: {  	lr =	sadd.s32 s0, s3;
	s0 =	sld [smem:$0x3FAE]  }
0x30: {  	s3 =	sld [smem:$0x3FB1]  }
0x31: {  	[smem:$0x3FBA] =	sst s10  }
0x32: {  	s10 =	sld [smem:$0x3FB8];
	_ =	sdelay $0x3  }
0x33: {  	p0 =	seq.s32 s10, $0x1;
	s10 =	sld [smem:$0x3FBA];
	_ =	sdelay $0x3  }
0x34: {  	[smem:$0x3FBA] =	sst s10  }
0x35: {  	s10 =	sld [smem:$0x3FB9];
	_ =	sdelay $0x3  }
0x36: {  	p1 =	seq.s32 s10, $0x1;
	s10 =	sld [smem:$0x3FBA];
	_ =	sdelay $0x3  }
0x37: {  	[smem:$0x3FBA] =	sst s10  }
0x38: {  	s10 =	sld [smem:$0x3FBB]  }
0x39: {  	_ = 	snop;
	(pc) =	sbr.ind lr, $3  }
0x3a: {  	_ = 	snop  }
0x3b: {  	_ = 	snop  }
0x3c: {  	p2 =	seq.s32 s10, $0x1;
	s10 =	sld [smem:$0x3FBA]  }
0x3d: {  	_ =	shalt  }
0x3e: {  	_ =	shalt  }
0x3f: {  	_ =	shalt  }
0x40: {  	_ =	shalt  }
0x41: {  	_ =	shalt  }
0x42: {  	_ =	shalt  }
0x43: {  	_ =	shalt  }
0x44: {  	_ =	shalt  }
0x45: {  	_ =	shalt  }
0x46: {  	_ =	shalt  }
0x47: {  	_ =	shalt  }
0x48: {  	_ =	shalt  }
0x49: {  	_ =	shalt  }
0x4a: {  	_ =	shalt  }
0x4b: {  	_ =	shalt  }
0x4c: {  	_ =	shalt  }
0x4d: {  	_ =	shalt  }
0x4e: {  	_ =	shalt  }
0x4f: {  	_ =	shalt  }
0x50: {  	_ =	shalt  }
0x51: {  	_ =	shalt  }
0x52: {  	_ =	shalt  }
0x53: {  	_ =	shalt  }
0x54: {  	_ =	shalt  }
0x55: {  	_ =	shalt  }
0x56: {  	_ =	shalt  }
0x57: {  	_ =	shalt  }
0x58: {  	_ =	shalt  }
0x59: {  	_ =	shalt  }
0x5a: {  	_ =	shalt  }
0x5b: {  	_ =	shalt  }
0x5c: {  	_ =	shalt  }
0x5d: {  	_ =	shalt  }
0x5e: {  	_ =	shalt  }
0x5f: {  	_ =	shalt  }
0x60: {  	_ =	shalt  }
0x61: {  	_ =	shalt  }
0x62: {  	_ =	shalt  }
0x63: {  	_ =	shalt  }
0x64: {  	_ =	shalt  }
0x65: {  	_ =	shalt  }
0x66: {  	_ =	shalt  }
0x67: {  	_ =	shalt  }
0x68: {  	_ =	shalt  }
0x69: {  	_ =	shalt  }
0x6a: {  	_ =	shalt  }
0x6b: {  	_ =	shalt  }
0x6c: {  	_ =	shalt  }
0x6d: {  	_ =	shalt  }
0x6e: {  	_ =	shalt  }
0x6f: {  	_ =	shalt  }
0x70: {  	_ =	shalt  }
0x71: {  	_ =	shalt  }
0x72: {  	_ =	shalt  }
0x73: {  	_ =	shalt  }
0x74: {  	_ =	shalt  }
0x75: {  	_ =	shalt  }
0x76: {  	_ =	shalt  }
0x77: {  	_ =	shalt  }
0x78: {  	_ =	shalt  }
0x79: {  	_ =	shalt  }
0x7a: {  	_ =	shalt  }
0x7b: {  	_ =	shalt  }
0x7c: {  	_ =	shalt  }
0x7d: {  	_ =	shalt  }
0x7e: {  	_ =	shalt  }
0x7f: {  	_ =	shalt  }
0x80: {  	_ =	shalt  }
0x81: {  	_ =	shalt  }
0x82: {  	_ =	shalt  }
0x83: {  	_ =	shalt  }
0x84: {  	_ =	shalt  }
0x85: {  	_ =	shalt  }
0x86: {  	_ =	shalt  }
0x87: {  	_ =	shalt  }
.Lfunc_end0:
.L_simem_size_0:
called_computation.3_lowered:
.L_overlay_start_0:
0x88: {  	s2 =	sld [smem:$0x3FD9]  }
0x89: {  	s3 =	sld [smem:$0x3FFE];
	_ =	sdelay $0x1  }
0x8a: {  	s1 =	srdreg.scid  }
0x8b: {  	s0 =	sand.u32 $0x1, s1  }
0x8c: {  	s16 =	sshll.u32 s0, $0xA;
	s2 =	sadd.s32 s3, s2  }
0x8d: {  	s2 =	sadd.s32 s2, s16  }
0x8e: {  	[smem:$0x3FC6] =	sst s2  }
0x8f: {  	_ = 	snop  }
0x90: {  	(tm) =	ssettm $0x1  }
0x91: {  	s17 =	sld [smem:$0x3FFB];
	_ =	sdelay $0x3  }
0x92: {  	_ =	strace s17  }
0x93: {  	s2 =	sld [smem:$0x3FFC];
	_ =	sdelay $0x3  }
0x94: {  	_ =	strace s2  }
0x95: {  	s2 =	sld [smem:$0x3FFD];
	_ =	sdelay $0x3  }
0x96: {  	_ =	strace s2  }
0x97: {  	_ =	strace $0x8FFFFFFF  }
0x98: {  	s18 =	sld [smem:$0x3FDB];
	_ =	sdelay $0x1  }
0x99: {  	s19 =	simm.s32 $_scs_section_size  }
0x9a: {  	s4 =	simm.s32 $_size__tile_overlayer_lowered;
	s5 =	simm.s32 $_tile_overlayer_lowered  }
0x9b: {  	s22 =	simm.s32 $0x1BFF;
	s21 =	sshll.u32 s5, $0x1;
	s2 =	sadd.s32 s19, s18  }
0x9c: {  	s6 =	simm.s32 $0x0;
	s20 =	sshll.u32 s4, $0x1;
	s4 =	sadd.s32 s21, s2  }
0x9d: {  	[timem:s6], [sflag:s22] =	dma.local [hbm:s4], s20  }
0x9e: {  	_ =	swait.ge [sflag:s22], s20  }
0x9f: {  	s3 =	ssub.s32 $0x0, s20;
	[sflag:s22] =	ssyncset.done $0x0  }
0xa0: {  	[sflag:s22] =	ssyncadd.s32 s3;
	_ =	sdelay $0x1  }
0xa1: {  	s23 =	simm.s32 $0x1B8B  }
0xa2: {  	_ =	swait.ge [sflag:s23], $0x1  }
0xa3: {  	[sflag:s23] =	ssyncset.done $0x0  }
0xa4: {  	s25 =	simm.s32 $0x1B8E;
	s24 =	sld [smem:$0x3FFE];
	[sflag:s23] =	ssyncadd.s32 $0xFFFFFFFF  }
0xa5: {  	s26 =	simm.s32 $execute0_lowered;
	[smem:$0x3FD2] =	sst s25  }
0xa6: {  	s4 =	sshll.u32 s26, $0x1;
	_ =	strace $0x80000046;
	[dreg:$0x1] =	wrdreg $0xFFFFFFFF  }
0xa7: {  	s28 =	simm.s32 $_size_execute0_lowered;
	s2 =	sadd.s32 s2, s4;
	[dreg:$0x0] =	wrdreg $0x0  }
0xa8: {  	s4 =	sshll.u32 s28, $0x1;
	[dreg:$0x2] =	wrdreg s2  }
0xa9: {  	[dreg:$0x3] =	wrdreg s4  }
0xaa: {  	[dreg:$0x4] =	wrdreg $0xC0  }
0xab: {  	_ =	task [dreg:s6], $0x5FFFF  }
0xac: {  	[dreg:$0x1] =	wrdreg $0xFFFFFFFF  }
0xad: {  	[dreg:$0x0] =	wrdreg $0x60  }
0xae: {  	[dreg:$0x2] =	wrdreg s24  }
0xaf: {  	[dreg:$0x3] =	wrdreg $0xC  }
0xb0: {  	_ =	task.clear_ibuf [dreg:s6], $0x4FFFF;
	_ =	strace $0x90000046  }
0xb1: {  	s29 =	simm.s32 $0xC;
	_ =	strace $0x80000048  }
0xb2: {  	_ =	swait.ge [sflag:s29], $0x1  }
0xb3: {  	[sflag:s29] =	ssyncadd.s32 $0xFFFFFFFF  }
0xb4: {  	_ =	strace $0x90000048  }
0xb5: {  	_ =	sfence  }
0xb6: {  	s30 =	sld [smem:$0x0];
	_ =	sdelay $0x2  }
0xb7: {  	s31 =	sshll.u32 s1, $0xD;
	s1 =	sshrl.u32 s1, $0x2  }
0xb8: {  	s3 =	sand.u32 $0x4000, s31;
	s1 =	sadd.s32 s1, s30  }
0xb9: {  	s0 =	sor.u32 s3, s0;
	s1 =	sshll.u32 s1, $0x11  }
0xba: {  	s0 =	sor.u32 s1, s0  }
0xbb: {  	s0 =	sadd.s32 $0x8F2B, s0  }
0xbc: {  	[sflag:s0] =	ssyncadd.remote.s32 $0x1  }
0xbd: {  	_ =	sfence.sel $0xFFFF  }
0xbe: {  	[dreg:$0x0] =	wrdreg $0xFFFFFFFF;
	(pc) =	sbr.abs _section_cstart, $3  }
0xbf: {  	[dreg:$0x1] =	wrdreg $0xFFFFFFFF  }
0xc0: {  	_ =	task.clear_ibuf [dreg:s6], $0x2FFFF;
	_ =	strace $0x9FFFFFFF  }
0xc1: {  	(tm) =	ssettm $0x7FFFFFFF  }
tec
execute0_lowered:
.L_overlay_start_1:
0x0: {  	(tag) =	ssettag $0x1  }
0x1: {  	s1 =	srdreg.scid  }
0x2: {  	s0 =	stileid.u32;
	s4 =	rddreg [dreg:$0x0];
	s2 =	simm.s32 $0x0  }
0x3: {  	s12 =	simm.s32 $0x3900;
	s13 =	simm.s32 $0x1;
	s14 =	simm.s32 $0x2  }
0x4: {  	s15 =	simm.s32 $0x0;
	s5 =	sand.u32 $0x1, s1;
	s1 =	rddreg [dreg:$0x1]  }
0x5: {  	s3 =	sshll.u32 s0, $0x1;
	[smem:$0x7FF] =	sst s2;
	s29 =	smul.u32 $0x19000, s0  }
0x6: {  	s10 =	sadd.s32 $0x7C4400, s4;
	s6 =	sor.u32 s5, s3;
	s11 =	smul.u32 $0xC800, s5  }
0x7: {  	_ =	strace $0x80000047;
	s8 =	ssub.s32 $0x2, s5;
	s7 =	smul.u32 $0x320, s6  }
0x8: {  	s3 =	sadd.s32 $0x14400, s4;
	s9 =	sshrl.u32 s8, $0x1;
	s6 =	smul.u32 $0xC800, s6  }
0x9: {  	s31 =	sadd.s32 s29, s10;
	s8 =	ssub.s32 s8, s9;
	s9 =	simm.s32 $0x3  }
0xa: {  	s7 =	sadd.s32 s7, s4;
	s30 =	sadd.s32 s10, s6;
	s5 =	smax.u32 s8, $0x1  }
0xb: {  	s8 =	sadd.s32 s11, s31;
	s10 =	simm.s32 $0x80;
	s11 =	simm.s32 $0x1900  }
0xc: {  	s4 =	sadd.s32 $0x1800, s7;
	s6 =	sadd.s32 $0xC000, s30;
	s7 =	sadd.s32 $0xC400, s30  }
.LBB2_1:
0xd: {  	[tilespmem:s2], [sflag:$0x3] =	stream.linear.gather [hbm4b:s4+s2], $0x1900, $0x38;
	[tilespmem:$0x5900] =	vst v63  }
0xe: {  	_ =	swait.ge [sflag:s9], $0x1900  }
0xf: {  	[sflag:s9] =	ssyncset.done $0x0  }
0x10: {  	[sflag:s9] =	ssyncadd.s32 $0xFFFFE700  }
0x11: {  	[tilespmem:s11], [sflag:$0x1] =	stream.indirect.gather [hbm4b:s3+s10], $0x40, s2, s10, $0xb8;
	[tilespmem:$0x5900] =	vst v63  }
0x12: {  	_ = 	snop  }
0x13: {  	[tilespmem:s12], [sflag:$0x2] =	stream.indirect.gather [hbm4b:s3+s10], $0x40, s10, s10, $0xb8;
	[tilespmem:$0x5900] =	vst v63  }
0x14: {  	_ =	swait.ge [sflag:s13], $0x2000  }
0x15: {  	[sflag:s13] =	ssyncset.done $0x0  }
0x16: {  	s16 =	sadd.s32 $0x0, s8;
	[sflag:s13] =	ssyncadd.s32 $0xFFFFE000  }
0x17: {  	[hbm4b:s16+s2] =	stream.linear.scatter [tilespmem:s11], [sflag:$0x3], $0x2000, $0x38;
	[tilespmem:$0x5900] =	vst v63  }
0x18: {  	_ =	swait.ge [sflag:s9], $0x2000  }
0x19: {  	[sflag:s9] =	ssyncset.done $0x0  }
0x1a: {  	s17 =	simm.s32 $0x100;
	[sflag:s9] =	ssyncadd.s32 $0xFFFFE000  }
0x1b: {  	[tilespmem:s11], [sflag:$0x1] =	stream.indirect.gather [hbm4b:s3+s10], $0x40, s17, s10, $0xb8;
	[tilespmem:$0x5900] =	vst v63  }
0x1c: {  	_ =	swait.ge [sflag:s14], $0x2000  }
0x1d: {  	[sflag:s14] =	ssyncset.done $0x0  }
0x1e: {  	s16 =	sadd.s32 $0x400, s16;
	[sflag:s14] =	ssyncadd.s32 $0xFFFFE000  }
0x1f: {  	[hbm4b:s16+s2] =	stream.linear.scatter [tilespmem:s12], [sflag:$0x3], $0x2000, $0x38;
	[tilespmem:$0x5900] =	vst v63  }
0x20: {  	_ =	swait.ge [sflag:s9], $0x2000  }
0x21: {  	s18 =	simm.s32 $0x280;
	[sflag:s9] =	ssyncset.done $0x0  }
0x22: {  	s17 =	simm.s32 $0x800;
	s16 =	simm.s32 $0x180;
	[sflag:s9] =	ssyncadd.s32 $0xFFFFE000  }
.LBB2_2:
0x23: {  	[tilespmem:s12], [sflag:$0x2] =	stream.indirect.gather [hbm4b:s3+s10], $0x40, s16, s10, $0xb8;
	[tilespmem:$0x5900] =	vst v63  }
0x24: {  	s19 =	smov.u32 s17;
	s16 =	smov.u32 s18  }
0x25: {  	p0 =	sne.s32 s17, $0xB800;
	s17 =	sadd.s32 $0x800, s17;
	_ =	swait.ge [sflag:s13], $0x2000  }
0x26: {  	[sflag:s13] =	ssyncset.done $0x0  }
0x27: {  	s19 =	sadd.s32 s19, s8;
	[sflag:s13] =	ssyncadd.s32 $0xFFFFE000  }
0x28: {  	[hbm4b:s19+s2] =	stream.linear.scatter [tilespmem:s11], [sflag:$0x3], $0x2000, $0x38;
	[tilespmem:$0x5900] =	vst v63  }
0x29: {  	_ =	swait.ge [sflag:s9], $0x2000  }
0x2a: {  	[sflag:s9] =	ssyncset.done $0x0  }
0x2b: {  	s20 =	sadd.s32 $0xFFFFFF80, s18;
	[sflag:s9] =	ssyncadd.s32 $0xFFFFE000  }
0x2c: {  	[tilespmem:s11], [sflag:$0x1] =	stream.indirect.gather [hbm4b:s3+s10], $0x40, s20, s10, $0xb8;
	[tilespmem:$0x5900] =	vst v63  }
0x2d: {  	_ =	swait.ge [sflag:s14], $0x2000  }
0x2e: {  	[sflag:s14] =	ssyncset.done $0x0  }
.Ltmp0:
0x2f: {  	s19 =	sadd.s32 $0x400, s19;
	[sflag:s14] =	ssyncadd.s32 $0xFFFFE000;
	(pc) =	sbr.rel @p0 .LBB2_2-.Ltmp0, $4  }
0x30: {  	[hbm4b:s19+s2] =	stream.linear.scatter [tilespmem:s12], [sflag:$0x3], $0x2000, $0x38;
	[tilespmem:$0x5900] =	vst v63  }
0x31: {  	_ =	swait.ge [sflag:s9], $0x2000  }
0x32: {  	[sflag:s9] =	ssyncset.done $0x0  }
0x33: {  	s18 =	sadd.s32 $0x100, s18;
	[sflag:s9] =	ssyncadd.s32 $0xFFFFE000  }
0x34: {  	[tilespmem:s12], [sflag:$0x2] =	stream.indirect.gather [hbm4b:s3+s10], $0x40, s16, s10, $0xb8;
	[tilespmem:$0x5900] =	vst v63  }
0x35: {  	_ =	swait.ge [sflag:s13], $0x2000  }
0x36: {  	[sflag:s13] =	ssyncset.done $0x0  }
0x37: {  	[sflag:s13] =	ssyncadd.s32 $0xFFFFE000  }
0x38: {  	[hbm4b:s6+s2] =	stream.linear.scatter [tilespmem:s11], [sflag:$0x3], $0x2000, $0x38;
	[tilespmem:$0x5900] =	vst v63  }
0x39: {  	_ =	swait.ge [sflag:s9], $0x2000  }
0x3a: {  	[sflag:s9] =	ssyncset.done $0x0  }
0x3b: {  	[sflag:s9] =	ssyncadd.s32 $0xFFFFE000  }
0x3c: {  	s15 =	sadd.s32 $0x1, s15;
	_ =	swait.ge [sflag:s14], $0x2000  }
0x3d: {  	p0 =	sne.s32 s15, s5;
	[sflag:s14] =	ssyncset.done $0x0  }
.Ltmp1:
0x3e: {  	[sflag:s14] =	ssyncadd.s32 $0xFFFFE000;
	(pc) =	sbr.rel @p0 .LBB2_1-.Ltmp1, $4  }
0x3f: {  	[hbm4b:s7+s2] =	stream.linear.scatter [tilespmem:s12], [sflag:$0x3], $0x2000, $0x38;
	[tilespmem:$0x5900] =	vst v63  }
0x40: {  	_ =	swait.ge [sflag:s9], $0x2000  }
0x41: {  	[sflag:s9] =	ssyncset.done $0x0  }
0x42: {  	[sflag:s9] =	ssyncadd.s32 $0xFFFFE000  }
0x43: {  	_ =	sfence.sel $0x180000  }
0x44: {  	[bflag:$0x0] =	sbarrier.arrive $0xFFFF  }
0x45: {  	p0 =	sne.s32 s0, $0x0;
	_ =	strace $0x90000047  }
0x46: {  	s0 =	sadd.s32 @!p0 $0x100000, s1;
	[bflag:$0x2] =	sbarrier.arrive $0xFFFF  }
0x47: {  	[sflag:s0] =	ssyncadd.tile.s32 @!p0 $0x1;
	_ =	shalt  }
.Lfunc_end2:
_tile_overlayer_lowered:
.L_overlay_start_2:
0x48: {  	(tag) =	ssettag $0x2  }
0x49: {  	s0 =	rddreg [dreg:$0x0];
	s2 =	stileid.u32  }
0x4a: {  	s1 =	rddreg [dreg:$0x1];
	p0 =	sne.s32 s2, $0x0  }
0x4b: {  	s3 =	rddreg [dreg:$0x2];
	[bflag:$0x3] =	sbarrier.arrive $0xFFFF;
	s2 =	simm.s32 @!p0 $0x1C03  }
0x4c: {  	[timem:s3], [sflag:s2] =	dma.local @!p0 [hbm:s0], s1  }
0x4d: {  	s0 =	simm.s32 @!p0 $0x3  }
0x4e: {  	_ =	swait.ge @!p0 [sflag:s0], s1  }
0x4f: {  	s1 =	ssub.s32 @!p0 $0x0, s1;
	[sflag:s0] =	ssyncset.done @!p0 $0x0  }
0x50: {  	[sflag:s0] =	ssyncadd.s32 @!p0 s1  }
0x51: {  	[bflag:$0x3] =	sbarrier.arrive $0xFFFF  }
0x52: {  	_ =	shalt  }

</sc_bundles>
